<compile_context>
chip_gen: v7x
topology: tpu7x:2x2x1
jax: 0.10.2.dev20260603
libtpu: 0.0.44.dev20260713+nightly
codegen_flags: <defaults>
</compile_context>

<pallas_src>
import functools

import jax
import jax.numpy as jnp
from jax import lax
from jax.experimental import pallas as pl
from jax.experimental.pallas import tpu as pltpu
from jax.experimental.pallas import tpu_sc as plsc

_EPS = float(jnp.finfo(jnp.float32).eps)

_N_ROWS = 100000
_DIM = 32


def _norm_body(tabt_ref, nw_ref, out_ref):
    x = tabt_ref[...]
    ms = jnp.mean(x * x, axis=0, keepdims=True)
    xn = x * lax.rsqrt(ms + _EPS)
    out_ref[...] = xn.T * nw_ref[...]


def _normalize_table(emb_weight_t, norm_weight):
    return pl.pallas_call(
        _norm_body,
        compiler_params=pltpu.CompilerParams(
            vmem_limit_bytes=100 * 1024 * 1024
        ),
        in_specs=[
            pl.BlockSpec((_DIM, _N_ROWS), lambda: (0, 0)),
            pl.BlockSpec((1, _DIM), lambda: (0, 0)),
        ],
        out_specs=pl.BlockSpec((_N_ROWS, _DIM), lambda: (0, 0)),
        out_shape=jax.ShapeDtypeStruct((_N_ROWS, _DIM), jnp.float32),
    )(emb_weight_t, norm_weight.reshape(1, _DIM))


def _make_gather(b, h):
    info = plsc.get_sparse_core_info()
    nc, ns = info.num_cores, info.num_subcores
    nw = nc * ns
    nbt = b // 128
    irows = h * nbt
    per_w = irows // nw
    k = 4
    ch = k * 128
    steps = per_w // k
    assert nbt % k == 0 and per_w % k == 0 and steps >= 4

    mesh = plsc.VectorSubcoreMesh(core_axis_name="c", subcore_axis_name="s")

    @functools.partial(
        pl.kernel,
        mesh=mesh,
        compiler_params=pltpu.CompilerParams(
            use_tc_tiling_on_sc=False,
            needs_layout_passes=False,
            disable_bounds_checks=True,
        ),
        out_type=jax.ShapeDtypeStruct((h * 4 * nbt * 8 * 128,), jnp.float32),
        scratch_types=[
            pltpu.VMEM((k, 128), jnp.int32),
            pltpu.VMEM((k, 128), jnp.int32),
            pltpu.VMEM((ch, _DIM), jnp.float32),
            pltpu.VMEM((ch, _DIM), jnp.float32),
            pltpu.VMEM((4 * k * 8 * 128,), jnp.float32),
            pltpu.VMEM((4 * k * 8 * 128,), jnp.float32),
            pltpu.SemaphoreType.DMA,
            pltpu.SemaphoreType.DMA,
            pltpu.SemaphoreType.DMA,
            pltpu.SemaphoreType.DMA,
            pltpu.SemaphoreType.DMA,
            pltpu.SemaphoreType.DMA,
        ],
    )
    def gather(tab_hbm, idx_hbm, out_hbm, i0, i1, g0, g1, t0, t1,
               is0, is1, gs0, gs1, os0, os1):
        wid = lax.axis_index("s") * nc + lax.axis_index("c")
        r0 = wid * per_w
        ibuf, gbuf, tbuf = (i0, i1), (g0, g1), (t0, t1)
        isem, gsem, osem = (is0, is1), (gs0, gs1), (os0, os1)

        def icp(i, s):
            return pltpu.async_copy(
                idx_hbm.at[pl.ds(r0 + i * k, k)], ibuf[s], isem[s]
            )

        def fire_gathers(i, s):
            for j in range(k):
                pltpu.async_copy(
                    tab_hbm.at[ibuf[s].at[j]],
                    gbuf[s].at[pl.ds(j * 128, 128)],
                    gsem[s],
                )

        def drain_gathers(s):
            pltpu.make_async_copy(
                tab_hbm.at[pl.ds(0, ch)], gbuf[s], gsem[s]
            ).wait()

        def transpose(s):
            iota = lax.iota(jnp.int32, 16)

            zero = jnp.zeros((16,), jnp.int32)

            @plsc.parallel_loop(0, _DIM)
            def _(d):
                fv = (d + iota) & 31
                qv = (iota << 5) + fv
                pv = ((fv >> 3) << 12) + ((fv & 7) << 7) + iota

                @plsc.parallel_loop(0, ch // 16, unroll=8)
                def _(g):
                    bg = ((g >> 3) << 10) + ((g & 7) << 4)
                    v = plsc.load_gather(gbuf[s], [zero, qv + (g << 9)])
                    plsc.store_scatter(tbuf[s], [pv + bg], v)

        def ocp(i, s):
            r = r0 + i * k
            hh = r // 128
            bt0 = lax.rem(r, 128)
            obase = hh * (4 * nbt * 1024) + bt0 * 1024
            for ft in range(4):
                pltpu.async_copy(
                    tbuf[s].at[pl.ds(ft * (k * 1024), k * 1024)],
                    out_hbm.at[pl.ds(obase + ft * (nbt * 1024), k * 1024)],
                    osem[s],
                )

        def ocp_wait(s):
            pltpu.make_async_copy(
                tbuf[s], out_hbm.at[pl.ds(0, 4 * k * 1024)], osem[s]
            ).wait()

        def icp_wait(s):
            pltpu.make_async_copy(
                idx_hbm.at[pl.ds(0, k)], ibuf[s], isem[s]
            ).wait()

        icp(0, 0)
        icp(1, 1)
        icp_wait(0)
        fire_gathers(0, 0)
        icp_wait(1)
        fire_gathers(1, 1)
        drain_gathers(0)
        transpose(0)
        icp(2, 0)
        ocp(0, 0)

        def body(p, carry):
            icp_wait(0)
            fire_gathers(2 * p + 2, 0)
            drain_gathers(1)
            icp(2 * p + 3, 1)

            @pl.when(p > 0)
            def _():
                ocp_wait(1)

            transpose(1)
            ocp(2 * p + 1, 1)
            icp_wait(1)
            fire_gathers(2 * p + 3, 1)
            drain_gathers(0)

            @pl.when(p < steps // 2 - 2)
            def _():
                icp(2 * p + 4, 0)

            ocp_wait(0)
            transpose(0)
            ocp(2 * p + 2, 0)
            return carry

        lax.fori_loop(0, steps // 2 - 1, body, 0)

        drain_gathers(1)
        ocp_wait(1)
        transpose(1)
        ocp(steps - 1, 1)
        ocp_wait(0)
        ocp_wait(1)

    return gather


def kernel(component_labels, emb_weight, norm_weight):
    b, h = component_labels.shape
    tab = _normalize_table(emb_weight.T, norm_weight)
    idx_t = component_labels.astype(jnp.int32).T.reshape(h * (b // 128), 128)
    out_flat = _make_gather(b, h)(tab, idx_t)
    out5 = out_flat.reshape(h, 4, b // 128, 8, 128)
    return out5.transpose(2, 4, 0, 1, 3).reshape(b, h, _DIM)

# --- scband reference (transcript-rebuilt; emitter-appended) ---
"""Pipeline reference for scband-components-pe-77884936946219 (READ-ONLY COPY).

The authoritative reference and input builder live on the scoring server;
editing this copy changes nothing except your own understanding.
"""

import jax, jax.numpy as jnp
import numpy as np

NUM_COMPONENTS = 100000
OUT_DIM = 32
BATCH = 16384
HIST = 200

def setup_inputs(seed: int = 0) -> dict:
    key = jax.random.key(seed)
    k_idx, k_emb = jax.random.split(key)
    component_labels = jax.random.randint(k_idx, (BATCH, HIST), 0, NUM_COMPONENTS, dtype=jnp.int64)
    # xavier_uniform init for embedding weight [num_embeddings, embedding_dim]
    limit = float(np.sqrt(6.0 / (NUM_COMPONENTS + OUT_DIM)))
    emb_weight = jax.random.uniform(k_emb, (NUM_COMPONENTS, OUT_DIM), dtype=jnp.float32, minval=-limit, maxval=limit)
    # RMSNorm learnable scale, initialized to ones
    norm_weight = jnp.ones((OUT_DIM,), dtype=jnp.float32)
    return {"component_labels": component_labels, "emb_weight": emb_weight, "norm_weight": norm_weight}

def reference(component_labels, emb_weight, norm_weight):
    # embedding lookup (gather)
    comps_pe = jnp.take(emb_weight, component_labels, axis=0)
    # RMSNorm over last dim; torch nn.RMSNorm with eps=None uses finfo(dtype).eps
    eps = jnp.finfo(jnp.float32).eps
    ms = jnp.mean(jnp.square(comps_pe), axis=-1, keepdims=True)
    comps_pe = comps_pe * jax.lax.rsqrt(ms + eps) * norm_weight
    # dropout is identity at inference
    return comps_pe

if __name__ == "__main__":
    import jax
    _d = setup_inputs()
    print(jax.jit(kernel)(*tuple(_d.values())))

</pallas_src>

<mosaic_0001>
#map = affine_map<(d0, d1) -> (0, 0)>
#map1 = affine_map<(d0, d1) -> (0)>
module attributes {stable_mosaic.version = 14 : i64} {
  func.func @gather(%arg0: i32, %arg1: i32, %arg2: memref<100000x32xf32, #tpu.memory_space<hbm>>, %arg3: memref<25600x128xi32, #tpu.memory_space<hbm>>, %arg4: memref<104857600xf32, #tpu.memory_space<hbm>>, %arg5: memref<4x128xi32, #tpu.memory_space<vmem>>, %arg6: memref<4x128xi32, #tpu.memory_space<vmem>>, %arg7: memref<512x32xf32, #tpu.memory_space<vmem>>, %arg8: memref<512x32xf32, #tpu.memory_space<vmem>>, %arg9: memref<16384xf32, #tpu.memory_space<vmem>>, %arg10: memref<16384xf32, #tpu.memory_space<vmem>>, %arg11: memref<!tpu.dma_semaphore, #tpu.memory_space<semaphore_mem>>, %arg12: memref<!tpu.dma_semaphore, #tpu.memory_space<semaphore_mem>>, %arg13: memref<!tpu.dma_semaphore, #tpu.memory_space<semaphore_mem>>, %arg14: memref<!tpu.dma_semaphore, #tpu.memory_space<semaphore_mem>>, %arg15: memref<!tpu.dma_semaphore, #tpu.memory_space<semaphore_mem>>, %arg16: memref<!tpu.dma_semaphore, #tpu.memory_space<semaphore_mem>>) attributes {dimension_semantics = [#tpu.dimension_semantics<core_parallel>, #tpu.dimension_semantics<subcore_parallel>], iteration_bounds = array<i64: 2, 16>, scalar_prefetch = 0 : i64, scratch_operands = 12 : i64, tpu.core_type = #tpu.core_type<sc_vector_subcore>, window_params = [{transform_indices = #map}, {transform_indices = #map}, {transform_indices = #map1}]} {
    %mul3A = arith.constant 2 : i32
    %mul3A_0 = arith.muli %arg1, %mul3A : i32
    %add3A = arith.addi %mul3A_0, %arg0 : i32
    %mul3A_1 = arith.constant 800 : i32
    %mul3A_2 = arith.muli %add3A, %mul3A_1 : i32
    %add3A_3 = arith.constant 0 : i32
    %add3A_4 = arith.addi %mul3A_2, %add3A_3 : i32
    %dma_start3A = arith.constant 0 : i32
    %dma_start3A_5 = tpu.memref_slice %arg3[%add3A_4, %dma_start3A] : memref<25600x128xi32, #tpu.memory_space<hbm>> -> memref<4x128xi32, #tpu.memory_space<hbm>>
    %dma_start3A_6 = arith.constant 0 : i32
    %dma_start3A_7 = tpu.memref_slice %arg3[%add3A_4, %dma_start3A_6] : memref<25600x128xi32, #tpu.memory_space<hbm>> -> memref<4x128xi32, #tpu.memory_space<hbm>>
    tpu.enqueue_dma source(%dma_start3A_7 : memref<4x128xi32, #tpu.memory_space<hbm>>) target(%arg5 : memref<4x128xi32, #tpu.memory_space<vmem>>) target_semaphore(%arg11 : memref<!tpu.dma_semaphore, #tpu.memory_space<semaphore_mem>>)
    %add3A_8 = arith.constant 4 : i32
    %add3A_9 = arith.addi %mul3A_2, %add3A_8 : i32
    %dma_start3A_10 = arith.constant 0 : i32
    %dma_start3A_11 = tpu.memref_slice %arg3[%add3A_9, %dma_start3A_10] : memref<25600x128xi32, #tpu.memory_space<hbm>> -> memref<4x128xi32, #tpu.memory_space<hbm>>
    %dma_start3A_12 = arith.constant 0 : i32
    %dma_start3A_13 = tpu.memref_slice %arg3[%add3A_9, %dma_start3A_12] : memref<25600x128xi32, #tpu.memory_space<hbm>> -> memref<4x128xi32, #tpu.memory_space<hbm>>
    tpu.enqueue_dma source(%dma_start3A_13 : memref<4x128xi32, #tpu.memory_space<hbm>>) target(%arg6 : memref<4x128xi32, #tpu.memory_space<vmem>>) target_semaphore(%arg12 : memref<!tpu.dma_semaphore, #tpu.memory_space<semaphore_mem>>)
    %dma_wait3A = arith.constant 0 : i32
    %dma_wait3A_14 = arith.constant 0 : i32
    %dma_wait3A_15 = tpu.memref_slice %arg3[%dma_wait3A, %dma_wait3A_14] : memref<25600x128xi32, #tpu.memory_space<hbm>> -> memref<4x128xi32, #tpu.memory_space<hbm>>
    %dma_wait3A_16 = arith.constant 0 : i32
    %dma_wait3A_17 = arith.constant 0 : i32
    %dma_wait3A_18 = tpu.memref_slice %arg3[%dma_wait3A_16, %dma_wait3A_17] : memref<25600x128xi32, #tpu.memory_space<hbm>> -> memref<4x128xi32, #tpu.memory_space<hbm>>
    tpu.wait_dma2 semaphore(%arg11 : memref<!tpu.dma_semaphore, #tpu.memory_space<semaphore_mem>>) src(%dma_wait3A_18 : memref<4x128xi32, #tpu.memory_space<hbm>>) dst(%arg5 : memref<4x128xi32, #tpu.memory_space<vmem>>)
    %dma_start3A_19 = arith.constant 0 : i32
    %dma_start3A_20 = arith.constant 0 : i32
    %dma_start3A_21 = arith.constant 0 : i32
    %dma_start3A_22 = tpu.memref_slice %arg7[%dma_start3A_20, %dma_start3A_21] : memref<512x32xf32, #tpu.memory_space<vmem>> -> memref<128x32xf32, #tpu.memory_space<vmem>>
    %dma_start3A_23 = arith.constant 0 : i32
    %dma_start3A_24 = tpu.memref_slice %arg5[%dma_start3A_19, %dma_start3A_23] : memref<4x128xi32, #tpu.memory_space<vmem>> -> memref<1x128xi32, #tpu.memory_space<vmem>>
    %dma_start3A_25 = tpu.memref_squeeze %dma_start3A_24 : memref<1x128xi32, #tpu.memory_space<vmem>> -> memref<128xi32, #tpu.memory_space<vmem>>
    %dma_start3A_26 = arith.constant 0 : i32
    %dma_start3A_27 = arith.constant 0 : i32
    %dma_start3A_28 = tpu.memref_slice %arg2[%dma_start3A_26, %dma_start3A_27] : memref<100000x32xf32, #tpu.memory_space<hbm>> -> memref<100000x32xf32, #tpu.memory_space<hbm>>
    tpu.enqueue_indirect_dma source(%dma_start3A_28 : memref<100000x32xf32, #tpu.memory_space<hbm>>) target(%dma_start3A_22 : memref<128x32xf32, #tpu.memory_space<vmem>>) offsets(%dma_start3A_25 : memref<128xi32, #tpu.memory_space<vmem>>) semaphore(%arg13 : memref<!tpu.dma_semaphore, #tpu.memory_space<semaphore_mem>>)
    %dma_start3A_29 = arith.constant 1 : i32
    %dma_start3A_30 = arith.constant 128 : i32
    %dma_start3A_31 = arith.constant 0 : i32
    %dma_start3A_32 = tpu.memref_slice %arg7[%dma_start3A_30, %dma_start3A_31] : memref<512x32xf32, #tpu.memory_space<vmem>> -> memref<128x32xf32, #tpu.memory_space<vmem>>
    %dma_start3A_33 = arith.constant 0 : i32
    %dma_start3A_34 = tpu.memref_slice %arg5[%dma_start3A_29, %dma_start3A_33] : memref<4x128xi32, #tpu.memory_space<vmem>> -> memref<1x128xi32, #tpu.memory_space<vmem>>
    %dma_start3A_35 = tpu.memref_squeeze %dma_start3A_34 : memref<1x128xi32, #tpu.memory_space<vmem>> -> memref<128xi32, #tpu.memory_space<vmem>>
    %dma_start3A_36 = arith.constant 0 : i32
    %dma_start3A_37 = arith.constant 0 : i32
    %dma_start3A_38 = tpu.memref_slice %arg2[%dma_start3A_36, %dma_start3A_37] : memref<100000x32xf32, #tpu.memory_space<hbm>> -> memref<100000x32xf32, #tpu.memory_space<hbm>>
    tpu.enqueue_indirect_dma source(%dma_start3A_38 : memref<100000x32xf32, #tpu.memory_space<hbm>>) target(%dma_start3A_32 : memref<128x32xf32, #tpu.memory_space<vmem>>) offsets(%dma_start3A_35 : memref<128xi32, #tpu.memory_space<vmem>>) semaphore(%arg13 : memref<!tpu.dma_semaphore, #tpu.memory_space<semaphore_mem>>)
    %dma_start3A_39 = arith.constant 2 : i32
    %dma_start3A_40 = arith.constant 256 : i32
    %dma_start3A_41 = arith.constant 0 : i32
    %dma_start3A_42 = tpu.memref_slice %arg7[%dma_start3A_40, %dma_start3A_41] : memref<512x32xf32, #tpu.memory_space<vmem>> -> memref<128x32xf32, #tpu.memory_space<vmem>>
    %dma_start3A_43 = arith.constant 0 : i32
    %dma_start3A_44 = tpu.memref_slice %arg5[%dma_start3A_39, %dma_start3A_43] : memref<4x128xi32, #tpu.memory_space<vmem>> -> memref<1x128xi32, #tpu.memory_space<vmem>>
    %dma_start3A_45 = tpu.memref_squeeze %dma_start3A_44 : memref<1x128xi32, #tpu.memory_space<vmem>> -> memref<128xi32, #tpu.memory_space<vmem>>
    %dma_start3A_46 = arith.constant 0 : i32
    %dma_start3A_47 = arith.constant 0 : i32
    %dma_start3A_48 = tpu.memref_slice %arg2[%dma_start3A_46, %dma_start3A_47] : memref<100000x32xf32, #tpu.memory_space<hbm>> -> memref<100000x32xf32, #tpu.memory_space<hbm>>
    tpu.enqueue_indirect_dma source(%dma_start3A_48 : memref<100000x32xf32, #tpu.memory_space<hbm>>) target(%dma_start3A_42 : memref<128x32xf32, #tpu.memory_space<vmem>>) offsets(%dma_start3A_45 : memref<128xi32, #tpu.memory_space<vmem>>) semaphore(%arg13 : memref<!tpu.dma_semaphore, #tpu.memory_space<semaphore_mem>>)
    %dma_start3A_49 = arith.constant 3 : i32
    %dma_start3A_50 = arith.constant 384 : i32
    %dma_start3A_51 = arith.constant 0 : i32
    %dma_start3A_52 = tpu.memref_slice %arg7[%dma_start3A_50, %dma_start3A_51] : memref<512x32xf32, #tpu.memory_space<vmem>> -> memref<128x32xf32, #tpu.memory_space<vmem>>
    %dma_start3A_53 = arith.constant 0 : i32
    %dma_start3A_54 = tpu.memref_slice %arg5[%dma_start3A_49, %dma_start3A_53] : memref<4x128xi32, #tpu.memory_space<vmem>> -> memref<1x128xi32, #tpu.memory_space<vmem>>
    %dma_start3A_55 = tpu.memref_squeeze %dma_start3A_54 : memref<1x128xi32, #tpu.memory_space<vmem>> -> memref<128xi32, #tpu.memory_space<vmem>>
    %dma_start3A_56 = arith.constant 0 : i32
    %dma_start3A_57 = arith.constant 0 : i32
    %dma_start3A_58 = tpu.memref_slice %arg2[%dma_start3A_56, %dma_start3A_57] : memref<100000x32xf32, #tpu.memory_space<hbm>> -> memref<100000x32xf32, #tpu.memory_space<hbm>>
    tpu.enqueue_indirect_dma source(%dma_start3A_58 : memref<100000x32xf32, #tpu.memory_space<hbm>>) target(%dma_start3A_52 : memref<128x32xf32, #tpu.memory_space<vmem>>) offsets(%dma_start3A_55 : memref<128xi32, #tpu.memory_space<vmem>>) semaphore(%arg13 : memref<!tpu.dma_semaphore, #tpu.memory_space<semaphore_mem>>)
    %dma_wait3A_59 = arith.constant 0 : i32
    %dma_wait3A_60 = arith.constant 0 : i32
    %dma_wait3A_61 = tpu.memref_slice %arg3[%dma_wait3A_59, %dma_wait3A_60] : memref<25600x128xi32, #tpu.memory_space<hbm>> -> memref<4x128xi32, #tpu.memory_space<hbm>>
    %dma_wait3A_62 = arith.constant 0 : i32
    %dma_wait3A_63 = arith.constant 0 : i32
    %dma_wait3A_64 = tpu.memref_slice %arg3[%dma_wait3A_62, %dma_wait3A_63] : memref<25600x128xi32, #tpu.memory_space<hbm>> -> memref<4x128xi32, #tpu.memory_space<hbm>>
    tpu.wait_dma2 semaphore(%arg12 : memref<!tpu.dma_semaphore, #tpu.memory_space<semaphore_mem>>) src(%dma_wait3A_64 : memref<4x128xi32, #tpu.memory_space<hbm>>) dst(%arg6 : memref<4x128xi32, #tpu.memory_space<vmem>>)
    %dma_start3A_65 = arith.constant 0 : i32
    %dma_start3A_66 = arith.constant 0 : i32
    %dma_start3A_67 = arith.constant 0 : i32
    %dma_start3A_68 = tpu.memref_slice %arg8[%dma_start3A_66, %dma_start3A_67] : memref<512x32xf32, #tpu.memory_space<vmem>> -> memref<128x32xf32, #tpu.memory_space<vmem>>
    %dma_start3A_69 = arith.constant 0 : i32
    %dma_start3A_70 = tpu.memref_slice %arg6[%dma_start3A_65, %dma_start3A_69] : memref<4x128xi32, #tpu.memory_space<vmem>> -> memref<1x128xi32, #tpu.memory_space<vmem>>
    %dma_start3A_71 = tpu.memref_squeeze %dma_start3A_70 : memref<1x128xi32, #tpu.memory_space<vmem>> -> memref<128xi32, #tpu.memory_space<vmem>>
    %dma_start3A_72 = arith.constant 0 : i32
    %dma_start3A_73 = arith.constant 0 : i32
    %dma_start3A_74 = tpu.memref_slice %arg2[%dma_start3A_72, %dma_start3A_73] : memref<100000x32xf32, #tpu.memory_space<hbm>> -> memref<100000x32xf32, #tpu.memory_space<hbm>>
    tpu.enqueue_indirect_dma source(%dma_start3A_74 : memref<100000x32xf32, #tpu.memory_space<hbm>>) target(%dma_start3A_68 : memref<128x32xf32, #tpu.memory_space<vmem>>) offsets(%dma_start3A_71 : memref<128xi32, #tpu.memory_space<vmem>>) semaphore(%arg14 : memref<!tpu.dma_semaphore, #tpu.memory_space<semaphore_mem>>)
    %dma_start3A_75 = arith.constant 1 : i32
    %dma_start3A_76 = arith.constant 128 : i32
    %dma_start3A_77 = arith.constant 0 : i32
    %dma_start3A_78 = tpu.memref_slice %arg8[%dma_start3A_76, %dma_start3A_77] : memref<512x32xf32, #tpu.memory_space<vmem>> -> memref<128x32xf32, #tpu.memory_space<vmem>>
    %dma_start3A_79 = arith.constant 0 : i32
    %dma_start3A_80 = tpu.memref_slice %arg6[%dma_start3A_75, %dma_start3A_79] : memref<4x128xi32, #tpu.memory_space<vmem>> -> memref<1x128xi32, #tpu.memory_space<vmem>>
    %dma_start3A_81 = tpu.memref_squeeze %dma_start3A_80 : memref<1x128xi32, #tpu.memory_space<vmem>> -> memref<128xi32, #tpu.memory_space<vmem>>
    %dma_start3A_82 = arith.constant 0 : i32
    %dma_start3A_83 = arith.constant 0 : i32
    %dma_start3A_84 = tpu.memref_slice %arg2[%dma_start3A_82, %dma_start3A_83] : memref<100000x32xf32, #tpu.memory_space<hbm>> -> memref<100000x32xf32, #tpu.memory_space<hbm>>
    tpu.enqueue_indirect_dma source(%dma_start3A_84 : memref<100000x32xf32, #tpu.memory_space<hbm>>) target(%dma_start3A_78 : memref<128x32xf32, #tpu.memory_space<vmem>>) offsets(%dma_start3A_81 : memref<128xi32, #tpu.memory_space<vmem>>) semaphore(%arg14 : memref<!tpu.dma_semaphore, #tpu.memory_space<semaphore_mem>>)
    %dma_start3A_85 = arith.constant 2 : i32
    %dma_start3A_86 = arith.constant 256 : i32
    %dma_start3A_87 = arith.constant 0 : i32
    %dma_start3A_88 = tpu.memref_slice %arg8[%dma_start3A_86, %dma_start3A_87] : memref<512x32xf32, #tpu.memory_space<vmem>> -> memref<128x32xf32, #tpu.memory_space<vmem>>
    %dma_start3A_89 = arith.constant 0 : i32
    %dma_start3A_90 = tpu.memref_slice %arg6[%dma_start3A_85, %dma_start3A_89] : memref<4x128xi32, #tpu.memory_space<vmem>> -> memref<1x128xi32, #tpu.memory_space<vmem>>
    %dma_start3A_91 = tpu.memref_squeeze %dma_start3A_90 : memref<1x128xi32, #tpu.memory_space<vmem>> -> memref<128xi32, #tpu.memory_space<vmem>>
    %dma_start3A_92 = arith.constant 0 : i32
    %dma_start3A_93 = arith.constant 0 : i32
    %dma_start3A_94 = tpu.memref_slice %arg2[%dma_start3A_92, %dma_start3A_93] : memref<100000x32xf32, #tpu.memory_space<hbm>> -> memref<100000x32xf32, #tpu.memory_space<hbm>>
    tpu.enqueue_indirect_dma source(%dma_start3A_94 : memref<100000x32xf32, #tpu.memory_space<hbm>>) target(%dma_start3A_88 : memref<128x32xf32, #tpu.memory_space<vmem>>) offsets(%dma_start3A_91 : memref<128xi32, #tpu.memory_space<vmem>>) semaphore(%arg14 : memref<!tpu.dma_semaphore, #tpu.memory_space<semaphore_mem>>)
    %dma_start3A_95 = arith.constant 3 : i32
    %dma_start3A_96 = arith.constant 384 : i32
    %dma_start3A_97 = arith.constant 0 : i32
    %dma_start3A_98 = tpu.memref_slice %arg8[%dma_start3A_96, %dma_start3A_97] : memref<512x32xf32, #tpu.memory_space<vmem>> -> memref<128x32xf32, #tpu.memory_space<vmem>>
    %dma_start3A_99 = arith.constant 0 : i32
    %dma_start3A_100 = tpu.memref_slice %arg6[%dma_start3A_95, %dma_start3A_99] : memref<4x128xi32, #tpu.memory_space<vmem>> -> memref<1x128xi32, #tpu.memory_space<vmem>>
    %dma_start3A_101 = tpu.memref_squeeze %dma_start3A_100 : memref<1x128xi32, #tpu.memory_space<vmem>> -> memref<128xi32, #tpu.memory_space<vmem>>
    %dma_start3A_102 = arith.constant 0 : i32
    %dma_start3A_103 = arith.constant 0 : i32
    %dma_start3A_104 = tpu.memref_slice %arg2[%dma_start3A_102, %dma_start3A_103] : memref<100000x32xf32, #tpu.memory_space<hbm>> -> memref<100000x32xf32, #tpu.memory_space<hbm>>
    tpu.enqueue_indirect_dma source(%dma_start3A_104 : memref<100000x32xf32, #tpu.memory_space<hbm>>) target(%dma_start3A_98 : memref<128x32xf32, #tpu.memory_space<vmem>>) offsets(%dma_start3A_101 : memref<128xi32, #tpu.memory_space<vmem>>) semaphore(%arg14 : memref<!tpu.dma_semaphore, #tpu.memory_space<semaphore_mem>>)
    %dma_wait3A_105 = arith.constant 0 : i32
    %dma_wait3A_106 = arith.constant 0 : i32
    %dma_wait3A_107 = tpu.memref_slice %arg2[%dma_wait3A_105, %dma_wait3A_106] : memref<100000x32xf32, #tpu.memory_space<hbm>> -> memref<512x32xf32, #tpu.memory_space<hbm>>
    %dma_wait3A_108 = arith.constant 0 : i32
    %dma_wait3A_109 = arith.constant 0 : i32
    %dma_wait3A_110 = tpu.memref_slice %arg2[%dma_wait3A_108, %dma_wait3A_109] : memref<100000x32xf32, #tpu.memory_space<hbm>> -> memref<512x32xf32, #tpu.memory_space<hbm>>
    tpu.wait_dma2 semaphore(%arg13 : memref<!tpu.dma_semaphore, #tpu.memory_space<semaphore_mem>>) src(%dma_wait3A_110 : memref<512x32xf32, #tpu.memory_space<hbm>>) dst(%arg7 : memref<512x32xf32, #tpu.memory_space<vmem>>)
    %iota3A = tpu.iota {dimensions = array<i32: 0>} : vector<16xi32>
    %broadcast_in_dim3A = arith.constant 0 : i32
    %broadcast_in_dim3A_111 = vector.broadcast %broadcast_in_dim3A : i32 to vector<16xi32>
    %parallel_loop3A = arith.constant 0 : i32
    %parallel_loop3A_112 = arith.constant 32 : i32
    %parallel_loop3A_113 = arith.constant 1 : i32
    scf.for %parallel_loop3A_271 = %parallel_loop3A to %parallel_loop3A_112 step %parallel_loop3A_113  : i32 {
      %parallel_loop3A_272 = vector.broadcast %parallel_loop3A_271 : i32 to vector<16xi32>
      %parallel_loop3A_273 = arith.addi %parallel_loop3A_272, %iota3A : vector<16xi32>
      %parallel_loop3A_274 = arith.constant 31 : i32
      %parallel_loop3A_275 = vector.broadcast %parallel_loop3A_274 : i32 to vector<16xi32>
      %parallel_loop3A_276 = arith.andi %parallel_loop3A_273, %parallel_loop3A_275 : vector<16xi32>
      %parallel_loop3A_277 = arith.constant 5 : i32
      %parallel_loop3A_278 = vector.broadcast %parallel_loop3A_277 : i32 to vector<16xi32>
      %parallel_loop3A_279 = arith.shli %iota3A, %parallel_loop3A_278 : vector<16xi32>
      %parallel_loop3A_280 = arith.addi %parallel_loop3A_279, %parallel_loop3A_276 : vector<16xi32>
      %parallel_loop3A_281 = arith.constant 3 : i32
      %parallel_loop3A_282 = vector.broadcast %parallel_loop3A_281 : i32 to vector<16xi32>
      %parallel_loop3A_283 = arith.shrsi %parallel_loop3A_276, %parallel_loop3A_282 : vector<16xi32>
      %parallel_loop3A_284 = arith.constant 12 : i32
      %parallel_loop3A_285 = vector.broadcast %parallel_loop3A_284 : i32 to vector<16xi32>
      %parallel_loop3A_286 = arith.shli %parallel_loop3A_283, %parallel_loop3A_285 : vector<16xi32>
      %parallel_loop3A_287 = arith.constant 7 : i32
      %parallel_loop3A_288 = vector.broadcast %parallel_loop3A_287 : i32 to vector<16xi32>
      %parallel_loop3A_289 = arith.andi %parallel_loop3A_276, %parallel_loop3A_288 : vector<16xi32>
      %parallel_loop3A_290 = arith.constant 7 : i32
      %parallel_loop3A_291 = vector.broadcast %parallel_loop3A_290 : i32 to vector<16xi32>
      %parallel_loop3A_292 = arith.shli %parallel_loop3A_289, %parallel_loop3A_291 : vector<16xi32>
      %parallel_loop3A_293 = arith.addi %parallel_loop3A_286, %parallel_loop3A_292 : vector<16xi32>
      %parallel_loop3A_294 = arith.addi %parallel_loop3A_293, %iota3A : vector<16xi32>
      %parallel_loop3A_295 = arith.constant 0 : i32
      %parallel_loop3A_296 = arith.constant 32 : i32
      %parallel_loop3A_297 = arith.constant 1 : i32
      scf.for %parallel_loop3A_298 = %parallel_loop3A_295 to %parallel_loop3A_296 step %parallel_loop3A_297  : i32 {
        %parallel_loop3A_299 = arith.constant 3 : i32
        %parallel_loop3A_300 = arith.shrsi %parallel_loop3A_298, %parallel_loop3A_299 : i32
        %parallel_loop3A_301 = arith.constant 10 : i32
        %parallel_loop3A_302 = arith.shli %parallel_loop3A_300, %parallel_loop3A_301 : i32
        %parallel_loop3A_303 = arith.constant 7 : i32
        %parallel_loop3A_304 = arith.andi %parallel_loop3A_298, %parallel_loop3A_303 : i32
        %parallel_loop3A_305 = arith.constant 4 : i32
        %parallel_loop3A_306 = arith.shli %parallel_loop3A_304, %parallel_loop3A_305 : i32
        %parallel_loop3A_307 = arith.addi %parallel_loop3A_302, %parallel_loop3A_306 : i32
        %parallel_loop3A_308 = arith.constant 9 : i32
        %parallel_loop3A_309 = arith.shli %parallel_loop3A_298, %parallel_loop3A_308 : i32
        %parallel_loop3A_310 = vector.broadcast %parallel_loop3A_309 : i32 to vector<16xi32>
        %parallel_loop3A_311 = arith.addi %parallel_loop3A_280, %parallel_loop3A_310 : vector<16xi32>
        %parallel_loop3A_312 = tpu.vector_load_idx %arg7[%broadcast_in_dim3A_111, %parallel_loop3A_311] : memref<512x32xf32, #tpu.memory_space<vmem>>[vector<16xi32>, vector<16xi32>], vector<16xf32>,
        %parallel_loop3A_313 = vector.broadcast %parallel_loop3A_307 : i32 to vector<16xi32>
        %parallel_loop3A_314 = arith.addi %parallel_loop3A_294, %parallel_loop3A_313 : vector<16xi32>
        tpu.vector_store_idx %arg9[%parallel_loop3A_314], %parallel_loop3A_312 : memref<16384xf32, #tpu.memory_space<vmem>>[vector<16xi32>], vector<16xf32>,
      } {sc.loop_unroll_factor = 8 : i64, sc.parallel_access}
    } {sc.loop_unroll_factor = 1 : i64, sc.parallel_access}
    %add3A_114 = arith.constant 8 : i32
    %add3A_115 = arith.addi %mul3A_2, %add3A_114 : i32
    %dma_start3A_116 = arith.constant 0 : i32
    %dma_start3A_117 = tpu.memref_slice %arg3[%add3A_115, %dma_start3A_116] : memref<25600x128xi32, #tpu.memory_space<hbm>> -> memref<4x128xi32, #tpu.memory_space<hbm>>
    %dma_start3A_118 = arith.constant 0 : i32
    %dma_start3A_119 = tpu.memref_slice %arg3[%add3A_115, %dma_start3A_118] : memref<25600x128xi32, #tpu.memory_space<hbm>> -> memref<4x128xi32, #tpu.memory_space<hbm>>
    tpu.enqueue_dma source(%dma_start3A_119 : memref<4x128xi32, #tpu.memory_space<hbm>>) target(%arg5 : memref<4x128xi32, #tpu.memory_space<vmem>>) target_semaphore(%arg11 : memref<!tpu.dma_semaphore, #tpu.memory_space<semaphore_mem>>)
    %add3A_120 = arith.constant 0 : i32
    %add3A_121 = arith.addi %mul3A_2, %add3A_120 : i32
    %jit3A = arith.constant 128 : i32
    %div3A = arith.divsi %add3A_121, %jit3A : i32
    %sign3A = arith.constant 0 : i32
    %sign3A_122 = arith.cmpi sgt, %add3A_121, %sign3A : i32
    %sign3A_123 = arith.extui %sign3A_122 : i1 to i32
    %sign3A_124 = arith.constant 0 : i32
    %sign3A_125 = arith.cmpi slt, %add3A_121, %sign3A_124 : i32
    %sign3A_126 = arith.extui %sign3A_125 : i1 to i32
    %sign3A_127 = arith.subi %sign3A_123, %sign3A_126 : i32
    %sign3A_128 = arith.constant 0 : i32
    %sign3A_129 = arith.cmpi sgt, %jit3A, %sign3A_128 : i32
    %sign3A_130 = arith.extui %sign3A_129 : i1 to i32
    %sign3A_131 = arith.constant 0 : i32
    %sign3A_132 = arith.cmpi slt, %jit3A, %sign3A_131 : i32
    %sign3A_133 = arith.extui %sign3A_132 : i1 to i32
    %sign3A_134 = arith.subi %sign3A_130, %sign3A_133 : i32
    %ne3A = arith.cmpi ne, %sign3A_127, %sign3A_134 : i32
    %rem3A = arith.remsi %add3A_121, %jit3A : i32
    %ne3A_135 = arith.constant 0 : i32
    %ne3A_136 = arith.cmpi ne, %rem3A, %ne3A_135 : i32
    %and3A = arith.andi %ne3A, %ne3A_136 : i1
    %sub3A = arith.constant 1 : i32
    %sub3A_137 = arith.subi %div3A, %sub3A : i32
    %select_n3A = arith.select %and3A, %sub3A_137, %div3A : i32
    %rem3A_138 = arith.constant 128 : i32
    %rem3A_139 = arith.remsi %add3A_121, %rem3A_138 : i32
    %mul3A_140 = arith.constant 524288 : i32
    %mul3A_141 = arith.muli %select_n3A, %mul3A_140 : i32
    %mul3A_142 = arith.constant 1024 : i32
    %mul3A_143 = arith.muli %rem3A_139, %mul3A_142 : i32
    %add3A_144 = arith.addi %mul3A_141, %mul3A_143 : i32
    %add3A_145 = arith.constant 0 : i32
    %add3A_146 = arith.addi %add3A_144, %add3A_145 : i32
    %dma_start3A_147 = arith.constant 0 : i32
    %dma_start3A_148 = tpu.memref_slice %arg9[%dma_start3A_147] : memref<16384xf32, #tpu.memory_space<vmem>> -> memref<4096xf32, #tpu.memory_space<vmem>>
    %dma_start3A_149 = tpu.memref_slice %arg4[%add3A_146] : memref<104857600xf32, #tpu.memory_space<hbm>> -> memref<4096xf32, #tpu.memory_space<hbm>>
    %dma_start3A_150 = tpu.memref_slice %arg4[%add3A_146] : memref<104857600xf32, #tpu.memory_space<hbm>> -> memref<4096xf32, #tpu.memory_space<hbm>>
    %dma_start3A_151 = arith.constant 0 : i32
    %dma_start3A_152 = tpu.memref_slice %arg9[%dma_start3A_151] : memref<16384xf32, #tpu.memory_space<vmem>> -> memref<4096xf32, #tpu.memory_space<vmem>>
    tpu.enqueue_dma source(%dma_start3A_152 : memref<4096xf32, #tpu.memory_space<vmem>>) target(%dma_start3A_150 : memref<4096xf32, #tpu.memory_space<hbm>>) target_semaphore(%arg15 : memref<!tpu.dma_semaphore, #tpu.memory_space<semaphore_mem>>)
    %add3A_153 = arith.constant 131072 : i32
    %add3A_154 = arith.addi %add3A_144, %add3A_153 : i32
    %dma_start3A_155 = arith.constant 4096 : i32
    %dma_start3A_156 = tpu.memref_slice %arg9[%dma_start3A_155] : memref<16384xf32, #tpu.memory_space<vmem>> -> memref<4096xf32, #tpu.memory_space<vmem>>
    %dma_start3A_157 = tpu.memref_slice %arg4[%add3A_154] : memref<104857600xf32, #tpu.memory_space<hbm>> -> memref<4096xf32, #tpu.memory_space<hbm>>
    %dma_start3A_158 = tpu.memref_slice %arg4[%add3A_154] : memref<104857600xf32, #tpu.memory_space<hbm>> -> memref<4096xf32, #tpu.memory_space<hbm>>
    %dma_start3A_159 = arith.constant 4096 : i32
    %dma_start3A_160 = tpu.memref_slice %arg9[%dma_start3A_159] : memref<16384xf32, #tpu.memory_space<vmem>> -> memref<4096xf32, #tpu.memory_space<vmem>>
    tpu.enqueue_dma source(%dma_start3A_160 : memref<4096xf32, #tpu.memory_space<vmem>>) target(%dma_start3A_158 : memref<4096xf32, #tpu.memory_space<hbm>>) target_semaphore(%arg15 : memref<!tpu.dma_semaphore, #tpu.memory_space<semaphore_mem>>)
    %add3A_161 = arith.constant 262144 : i32
    %add3A_162 = arith.addi %add3A_144, %add3A_161 : i32
    %dma_start3A_163 = arith.constant 8192 : i32
    %dma_start3A_164 = tpu.memref_slice %arg9[%dma_start3A_163] : memref<16384xf32, #tpu.memory_space<vmem>> -> memref<4096xf32, #tpu.memory_space<vmem>>
    %dma_start3A_165 = tpu.memref_slice %arg4[%add3A_162] : memref<104857600xf32, #tpu.memory_space<hbm>> -> memref<4096xf32, #tpu.memory_space<hbm>>
    %dma_start3A_166 = tpu.memref_slice %arg4[%add3A_162] : memref<104857600xf32, #tpu.memory_space<hbm>> -> memref<4096xf32, #tpu.memory_space<hbm>>
    %dma_start3A_167 = arith.constant 8192 : i32
    %dma_start3A_168 = tpu.memref_slice %arg9[%dma_start3A_167] : memref<16384xf32, #tpu.memory_space<vmem>> -> memref<4096xf32, #tpu.memory_space<vmem>>
    tpu.enqueue_dma source(%dma_start3A_168 : memref<4096xf32, #tpu.memory_space<vmem>>) target(%dma_start3A_166 : memref<4096xf32, #tpu.memory_space<hbm>>) target_semaphore(%arg15 : memref<!tpu.dma_semaphore, #tpu.memory_space<semaphore_mem>>)
    %add3A_169 = arith.constant 393216 : i32
    %add3A_170 = arith.addi %add3A_144, %add3A_169 : i32
    %dma_start3A_171 = arith.constant 12288 : i32
    %dma_start3A_172 = tpu.memref_slice %arg9[%dma_start3A_171] : memref<16384xf32, #tpu.memory_space<vmem>> -> memref<4096xf32, #tpu.memory_space<vmem>>
    %dma_start3A_173 = tpu.memref_slice %arg4[%add3A_170] : memref<104857600xf32, #tpu.memory_space<hbm>> -> memref<4096xf32, #tpu.memory_space<hbm>>
    %dma_start3A_174 = tpu.memref_slice %arg4[%add3A_170] : memref<104857600xf32, #tpu.memory_space<hbm>> -> memref<4096xf32, #tpu.memory_space<hbm>>
    %dma_start3A_175 = arith.constant 12288 : i32
    %dma_start3A_176 = tpu.memref_slice %arg9[%dma_start3A_175] : memref<16384xf32, #tpu.memory_space<vmem>> -> memref<4096xf32, #tpu.memory_space<vmem>>
    tpu.enqueue_dma source(%dma_start3A_176 : memref<4096xf32, #tpu.memory_space<vmem>>) target(%dma_start3A_174 : memref<4096xf32, #tpu.memory_space<hbm>>) target_semaphore(%arg15 : memref<!tpu.dma_semaphore, #tpu.memory_space<semaphore_mem>>)
    %scan3A = arith.constant 0 : i32
    %scan3A_177 = arith.constant 0 : i32
    %scan3A_178 = arith.constant 99 : i32
    %scan3A_179 = arith.addi %scan3A_177, %scan3A_178 : i32
    %scan3A_180 = arith.constant 1 : i32
    scf.for %scan3A_271 = %scan3A_177 to %scan3A_179 step %scan3A_180  : i32 {
      %dma_wait3A_272 = arith.constant 0 : i32
      %dma_wait3A_273 = arith.constant 0 : i32
      %dma_wait3A_274 = tpu.memref_slice %arg3[%dma_wait3A_272, %dma_wait3A_273] : memref<25600x128xi32, #tpu.memory_space<hbm>> -> memref<4x128xi32, #tpu.memory_space<hbm>>
      %dma_wait3A_275 = arith.constant 0 : i32
      %dma_wait3A_276 = arith.constant 0 : i32
      %dma_wait3A_277 = tpu.memref_slice %arg3[%dma_wait3A_275, %dma_wait3A_276] : memref<25600x128xi32, #tpu.memory_space<hbm>> -> memref<4x128xi32, #tpu.memory_space<hbm>>
      tpu.wait_dma2 semaphore(%arg11 : memref<!tpu.dma_semaphore, #tpu.memory_space<semaphore_mem>>) src(%dma_wait3A_277 : memref<4x128xi32, #tpu.memory_space<hbm>>) dst(%arg5 : memref<4x128xi32, #tpu.memory_space<vmem>>)
      %mul3A_278 = arith.constant 2 : i32
      %mul3A_279 = arith.muli %mul3A_278, %scan3A_271 : i32
      %add3A_280 = arith.constant 2 : i32
      %add3A_281 = arith.addi %mul3A_279, %add3A_280 : i32
      %dma_start3A_282 = arith.constant 0 : i32
      %dma_start3A_283 = arith.constant 0 : i32
      %dma_start3A_284 = arith.constant 0 : i32
      %dma_start3A_285 = tpu.memref_slice %arg7[%dma_start3A_283, %dma_start3A_284] : memref<512x32xf32, #tpu.memory_space<vmem>> -> memref<128x32xf32, #tpu.memory_space<vmem>>
      %dma_start3A_286 = arith.constant 0 : i32
      %dma_start3A_287 = tpu.memref_slice %arg5[%dma_start3A_282, %dma_start3A_286] : memref<4x128xi32, #tpu.memory_space<vmem>> -> memref<1x128xi32, #tpu.memory_space<vmem>>
      %dma_start3A_288 = tpu.memref_squeeze %dma_start3A_287 : memref<1x128xi32, #tpu.memory_space<vmem>> -> memref<128xi32, #tpu.memory_space<vmem>>
      %dma_start3A_289 = arith.constant 0 : i32
      %dma_start3A_290 = arith.constant 0 : i32
      %dma_start3A_291 = tpu.memref_slice %arg2[%dma_start3A_289, %dma_start3A_290] : memref<100000x32xf32, #tpu.memory_space<hbm>> -> memref<100000x32xf32, #tpu.memory_space<hbm>>
      tpu.enqueue_indirect_dma source(%dma_start3A_291 : memref<100000x32xf32, #tpu.memory_space<hbm>>) target(%dma_start3A_285 : memref<128x32xf32, #tpu.memory_space<vmem>>) offsets(%dma_start3A_288 : memref<128xi32, #tpu.memory_space<vmem>>) semaphore(%arg13 : memref<!tpu.dma_semaphore, #tpu.memory_space<semaphore_mem>>)
      %dma_start3A_292 = arith.constant 1 : i32
      %dma_start3A_293 = arith.constant 128 : i32
      %dma_start3A_294 = arith.constant 0 : i32
      %dma_start3A_295 = tpu.memref_slice %arg7[%dma_start3A_293, %dma_start3A_294] : memref<512x32xf32, #tpu.memory_space<vmem>> -> memref<128x32xf32, #tpu.memory_space<vmem>>
      %dma_start3A_296 = arith.constant 0 : i32
      %dma_start3A_297 = tpu.memref_slice %arg5[%dma_start3A_292, %dma_start3A_296] : memref<4x128xi32, #tpu.memory_space<vmem>> -> memref<1x128xi32, #tpu.memory_space<vmem>>
      %dma_start3A_298 = tpu.memref_squeeze %dma_start3A_297 : memref<1x128xi32, #tpu.memory_space<vmem>> -> memref<128xi32, #tpu.memory_space<vmem>>
      %dma_start3A_299 = arith.constant 0 : i32
      %dma_start3A_300 = arith.constant 0 : i32
      %dma_start3A_301 = tpu.memref_slice %arg2[%dma_start3A_299, %dma_start3A_300] : memref<100000x32xf32, #tpu.memory_space<hbm>> -> memref<100000x32xf32, #tpu.memory_space<hbm>>
      tpu.enqueue_indirect_dma source(%dma_start3A_301 : memref<100000x32xf32, #tpu.memory_space<hbm>>) target(%dma_start3A_295 : memref<128x32xf32, #tpu.memory_space<vmem>>) offsets(%dma_start3A_298 : memref<128xi32, #tpu.memory_space<vmem>>) semaphore(%arg13 : memref<!tpu.dma_semaphore, #tpu.memory_space<semaphore_mem>>)
      %dma_start3A_302 = arith.constant 2 : i32
      %dma_start3A_303 = arith.constant 256 : i32
      %dma_start3A_304 = arith.constant 0 : i32
      %dma_start3A_305 = tpu.memref_slice %arg7[%dma_start3A_303, %dma_start3A_304] : memref<512x32xf32, #tpu.memory_space<vmem>> -> memref<128x32xf32, #tpu.memory_space<vmem>>
      %dma_start3A_306 = arith.constant 0 : i32
      %dma_start3A_307 = tpu.memref_slice %arg5[%dma_start3A_302, %dma_start3A_306] : memref<4x128xi32, #tpu.memory_space<vmem>> -> memref<1x128xi32, #tpu.memory_space<vmem>>
      %dma_start3A_308 = tpu.memref_squeeze %dma_start3A_307 : memref<1x128xi32, #tpu.memory_space<vmem>> -> memref<128xi32, #tpu.memory_space<vmem>>
      %dma_start3A_309 = arith.constant 0 : i32
      %dma_start3A_310 = arith.constant 0 : i32
      %dma_start3A_311 = tpu.memref_slice %arg2[%dma_start3A_309, %dma_start3A_310] : memref<100000x32xf32, #tpu.memory_space<hbm>> -> memref<100000x32xf32, #tpu.memory_space<hbm>>
      tpu.enqueue_indirect_dma source(%dma_start3A_311 : memref<100000x32xf32, #tpu.memory_space<hbm>>) target(%dma_start3A_305 : memref<128x32xf32, #tpu.memory_space<vmem>>) offsets(%dma_start3A_308 : memref<128xi32, #tpu.memory_space<vmem>>) semaphore(%arg13 : memref<!tpu.dma_semaphore, #tpu.memory_space<semaphore_mem>>)
      %dma_start3A_312 = arith.constant 3 : i32
      %dma_start3A_313 = arith.constant 384 : i32
      %dma_start3A_314 = arith.constant 0 : i32
      %dma_start3A_315 = tpu.memref_slice %arg7[%dma_start3A_313, %dma_start3A_314] : memref<512x32xf32, #tpu.memory_space<vmem>> -> memref<128x32xf32, #tpu.memory_space<vmem>>
      %dma_start3A_316 = arith.constant 0 : i32
      %dma_start3A_317 = tpu.memref_slice %arg5[%dma_start3A_312, %dma_start3A_316] : memref<4x128xi32, #tpu.memory_space<vmem>> -> memref<1x128xi32, #tpu.memory_space<vmem>>
      %dma_start3A_318 = tpu.memref_squeeze %dma_start3A_317 : memref<1x128xi32, #tpu.memory_space<vmem>> -> memref<128xi32, #tpu.memory_space<vmem>>
      %dma_start3A_319 = arith.constant 0 : i32
      %dma_start3A_320 = arith.constant 0 : i32
      %dma_start3A_321 = tpu.memref_slice %arg2[%dma_start3A_319, %dma_start3A_320] : memref<100000x32xf32, #tpu.memory_space<hbm>> -> memref<100000x32xf32, #tpu.memory_space<hbm>>
      tpu.enqueue_indirect_dma source(%dma_start3A_321 : memref<100000x32xf32, #tpu.memory_space<hbm>>) target(%dma_start3A_315 : memref<128x32xf32, #tpu.memory_space<vmem>>) offsets(%dma_start3A_318 : memref<128xi32, #tpu.memory_space<vmem>>) semaphore(%arg13 : memref<!tpu.dma_semaphore, #tpu.memory_space<semaphore_mem>>)
      %dma_wait3A_322 = arith.constant 0 : i32
      %dma_wait3A_323 = arith.constant 0 : i32
      %dma_wait3A_324 = tpu.memref_slice %arg2[%dma_wait3A_322, %dma_wait3A_323] : memref<100000x32xf32, #tpu.memory_space<hbm>> -> memref<512x32xf32, #tpu.memory_space<hbm>>
      %dma_wait3A_325 = arith.constant 0 : i32
      %dma_wait3A_326 = arith.constant 0 : i32
      %dma_wait3A_327 = tpu.memref_slice %arg2[%dma_wait3A_325, %dma_wait3A_326] : memref<100000x32xf32, #tpu.memory_space<hbm>> -> memref<512x32xf32, #tpu.memory_space<hbm>>
      tpu.wait_dma2 semaphore(%arg14 : memref<!tpu.dma_semaphore, #tpu.memory_space<semaphore_mem>>) src(%dma_wait3A_327 : memref<512x32xf32, #tpu.memory_space<hbm>>) dst(%arg8 : memref<512x32xf32, #tpu.memory_space<vmem>>)
      %mul3A_328 = arith.constant 2 : i32
      %mul3A_329 = arith.muli %mul3A_328, %scan3A_271 : i32
      %add3A_330 = arith.constant 3 : i32
      %add3A_331 = arith.addi %mul3A_329, %add3A_330 : i32
      %mul3A_332 = arith.constant 4 : i32
      %mul3A_333 = arith.muli %add3A_331, %mul3A_332 : i32
      %add3A_334 = arith.addi %mul3A_2, %mul3A_333 : i32
      %dma_start3A_335 = arith.constant 0 : i32
      %dma_start3A_336 = tpu.memref_slice %arg3[%add3A_334, %dma_start3A_335] : memref<25600x128xi32, #tpu.memory_space<hbm>> -> memref<4x128xi32, #tpu.memory_space<hbm>>
      %dma_start3A_337 = arith.constant 0 : i32
      %dma_start3A_338 = tpu.memref_slice %arg3[%add3A_334, %dma_start3A_337] : memref<25600x128xi32, #tpu.memory_space<hbm>> -> memref<4x128xi32, #tpu.memory_space<hbm>>
      tpu.enqueue_dma source(%dma_start3A_338 : memref<4x128xi32, #tpu.memory_space<hbm>>) target(%arg6 : memref<4x128xi32, #tpu.memory_space<vmem>>) target_semaphore(%arg12 : memref<!tpu.dma_semaphore, #tpu.memory_space<semaphore_mem>>)
      %gt3A = arith.constant 0 : i32
      %gt3A_339 = arith.cmpi sgt, %scan3A_271, %gt3A : i32
      %convert_element_type3A = arith.extui %gt3A_339 : i1 to i32
      %cond3A = arith.constant 0 : i32
      %cond3A_340 = arith.cmpi ne, %convert_element_type3A, %cond3A : i32
      scf.if %cond3A_340 {
        %dma_wait3A_557 = arith.constant 0 : i32
        %dma_wait3A_558 = tpu.memref_slice %arg4[%dma_wait3A_557] : memref<104857600xf32, #tpu.memory_space<hbm>> -> memref<16384xf32, #tpu.memory_space<hbm>>
        %dma_wait3A_559 = arith.constant 0 : i32
        %dma_wait3A_560 = tpu.memref_slice %arg4[%dma_wait3A_559] : memref<104857600xf32, #tpu.memory_space<hbm>> -> memref<16384xf32, #tpu.memory_space<hbm>>
        tpu.wait_dma2 semaphore(%arg16 : memref<!tpu.dma_semaphore, #tpu.memory_space<semaphore_mem>>) src(%arg10 : memref<16384xf32, #tpu.memory_space<vmem>>) dst(%dma_wait3A_560 : memref<16384xf32, #tpu.memory_space<hbm>>)
      } else {
      }
      %iota3A_341 = tpu.iota {dimensions = array<i32: 0>} : vector<16xi32>
      %broadcast_in_dim3A_342 = arith.constant 0 : i32
      %broadcast_in_dim3A_343 = vector.broadcast %broadcast_in_dim3A_342 : i32 to vector<16xi32>
      %parallel_loop3A_344 = arith.constant 0 : i32
      %parallel_loop3A_345 = arith.constant 32 : i32
      %parallel_loop3A_346 = arith.constant 1 : i32
      scf.for %parallel_loop3A_557 = %parallel_loop3A_344 to %parallel_loop3A_345 step %parallel_loop3A_346  : i32 {
        %parallel_loop3A_558 = vector.broadcast %parallel_loop3A_557 : i32 to vector<16xi32>
        %parallel_loop3A_559 = arith.addi %parallel_loop3A_558, %iota3A_341 : vector<16xi32>
        %parallel_loop3A_560 = arith.constant 31 : i32
        %parallel_loop3A_561 = vector.broadcast %parallel_loop3A_560 : i32 to vector<16xi32>
        %parallel_loop3A_562 = arith.andi %parallel_loop3A_559, %parallel_loop3A_561 : vector<16xi32>
        %parallel_loop3A_563 = arith.constant 5 : i32
        %parallel_loop3A_564 = vector.broadcast %parallel_loop3A_563 : i32 to vector<16xi32>
        %parallel_loop3A_565 = arith.shli %iota3A_341, %parallel_loop3A_564 : vector<16xi32>
        %parallel_loop3A_566 = arith.addi %parallel_loop3A_565, %parallel_loop3A_562 : vector<16xi32>
        %parallel_loop3A_567 = arith.constant 3 : i32
        %parallel_loop3A_568 = vector.broadcast %parallel_loop3A_567 : i32 to vector<16xi32>
        %parallel_loop3A_569 = arith.shrsi %parallel_loop3A_562, %parallel_loop3A_568 : vector<16xi32>
        %parallel_loop3A_570 = arith.constant 12 : i32
        %parallel_loop3A_571 = vector.broadcast %parallel_loop3A_570 : i32 to vector<16xi32>
        %parallel_loop3A_572 = arith.shli %parallel_loop3A_569, %parallel_loop3A_571 : vector<16xi32>
        %parallel_loop3A_573 = arith.constant 7 : i32
        %parallel_loop3A_574 = vector.broadcast %parallel_loop3A_573 : i32 to vector<16xi32>
        %parallel_loop3A_575 = arith.andi %parallel_loop3A_562, %parallel_loop3A_574 : vector<16xi32>
        %parallel_loop3A_576 = arith.constant 7 : i32
        %parallel_loop3A_577 = vector.broadcast %parallel_loop3A_576 : i32 to vector<16xi32>
        %parallel_loop3A_578 = arith.shli %parallel_loop3A_575, %parallel_loop3A_577 : vector<16xi32>
        %parallel_loop3A_579 = arith.addi %parallel_loop3A_572, %parallel_loop3A_578 : vector<16xi32>
        %parallel_loop3A_580 = arith.addi %parallel_loop3A_579, %iota3A_341 : vector<16xi32>
        %parallel_loop3A_581 = arith.constant 0 : i32
        %parallel_loop3A_582 = arith.constant 32 : i32
        %parallel_loop3A_583 = arith.constant 1 : i32
        scf.for %parallel_loop3A_584 = %parallel_loop3A_581 to %parallel_loop3A_582 step %parallel_loop3A_583  : i32 {
          %parallel_loop3A_585 = arith.constant 3 : i32
          %parallel_loop3A_586 = arith.shrsi %parallel_loop3A_584, %parallel_loop3A_585 : i32
          %parallel_loop3A_587 = arith.constant 10 : i32
          %parallel_loop3A_588 = arith.shli %parallel_loop3A_586, %parallel_loop3A_587 : i32
          %parallel_loop3A_589 = arith.constant 7 : i32
          %parallel_loop3A_590 = arith.andi %parallel_loop3A_584, %parallel_loop3A_589 : i32
          %parallel_loop3A_591 = arith.constant 4 : i32
          %parallel_loop3A_592 = arith.shli %parallel_loop3A_590, %parallel_loop3A_591 : i32
          %parallel_loop3A_593 = arith.addi %parallel_loop3A_588, %parallel_loop3A_592 : i32
          %parallel_loop3A_594 = arith.constant 9 : i32
          %parallel_loop3A_595 = arith.shli %parallel_loop3A_584, %parallel_loop3A_594 : i32
          %parallel_loop3A_596 = vector.broadcast %parallel_loop3A_595 : i32 to vector<16xi32>
          %parallel_loop3A_597 = arith.addi %parallel_loop3A_566, %parallel_loop3A_596 : vector<16xi32>
          %parallel_loop3A_598 = tpu.vector_load_idx %arg8[%broadcast_in_dim3A_343, %parallel_loop3A_597] : memref<512x32xf32, #tpu.memory_space<vmem>>[vector<16xi32>, vector<16xi32>], vector<16xf32>,
          %parallel_loop3A_599 = vector.broadcast %parallel_loop3A_593 : i32 to vector<16xi32>
          %parallel_loop3A_600 = arith.addi %parallel_loop3A_580, %parallel_loop3A_599 : vector<16xi32>
          tpu.vector_store_idx %arg10[%parallel_loop3A_600], %parallel_loop3A_598 : memref<16384xf32, #tpu.memory_space<vmem>>[vector<16xi32>], vector<16xf32>,
        } {sc.loop_unroll_factor = 8 : i64, sc.parallel_access}
      } {sc.loop_unroll_factor = 1 : i64, sc.parallel_access}
      %mul3A_347 = arith.constant 2 : i32
      %mul3A_348 = arith.muli %mul3A_347, %scan3A_271 : i32
      %add3A_349 = arith.constant 1 : i32
      %add3A_350 = arith.addi %mul3A_348, %add3A_349 : i32
      %mul3A_351 = arith.constant 4 : i32
      %mul3A_352 = arith.muli %add3A_350, %mul3A_351 : i32
      %add3A_353 = arith.addi %mul3A_2, %mul3A_352 : i32
      %jit3A_354 = arith.constant 128 : i32
      %div3A_355 = arith.divsi %add3A_353, %jit3A_354 : i32
      %sign3A_356 = arith.constant 0 : i32
      %sign3A_357 = arith.cmpi sgt, %add3A_353, %sign3A_356 : i32
      %sign3A_358 = arith.extui %sign3A_357 : i1 to i32
      %sign3A_359 = arith.constant 0 : i32
      %sign3A_360 = arith.cmpi slt, %add3A_353, %sign3A_359 : i32
      %sign3A_361 = arith.extui %sign3A_360 : i1 to i32
      %sign3A_362 = arith.subi %sign3A_358, %sign3A_361 : i32
      %sign3A_363 = arith.constant 0 : i32
      %sign3A_364 = arith.cmpi sgt, %jit3A_354, %sign3A_363 : i32
      %sign3A_365 = arith.extui %sign3A_364 : i1 to i32
      %sign3A_366 = arith.constant 0 : i32
      %sign3A_367 = arith.cmpi slt, %jit3A_354, %sign3A_366 : i32
      %sign3A_368 = arith.extui %sign3A_367 : i1 to i32
      %sign3A_369 = arith.subi %sign3A_365, %sign3A_368 : i32
      %ne3A_370 = arith.cmpi ne, %sign3A_362, %sign3A_369 : i32
      %rem3A_371 = arith.remsi %add3A_353, %jit3A_354 : i32
      %ne3A_372 = arith.constant 0 : i32
      %ne3A_373 = arith.cmpi ne, %rem3A_371, %ne3A_372 : i32
      %and3A_374 = arith.andi %ne3A_370, %ne3A_373 : i1
      %sub3A_375 = arith.constant 1 : i32
      %sub3A_376 = arith.subi %div3A_355, %sub3A_375 : i32
      %select_n3A_377 = arith.select %and3A_374, %sub3A_376, %div3A_355 : i32
      %rem3A_378 = arith.constant 128 : i32
      %rem3A_379 = arith.remsi %add3A_353, %rem3A_378 : i32
      %mul3A_380 = arith.constant 524288 : i32
      %mul3A_381 = arith.muli %select_n3A_377, %mul3A_380 : i32
      %mul3A_382 = arith.constant 1024 : i32
      %mul3A_383 = arith.muli %rem3A_379, %mul3A_382 : i32
      %add3A_384 = arith.addi %mul3A_381, %mul3A_383 : i32
      %add3A_385 = arith.constant 0 : i32
      %add3A_386 = arith.addi %add3A_384, %add3A_385 : i32
      %dma_start3A_387 = arith.constant 0 : i32
      %dma_start3A_388 = tpu.memref_slice %arg10[%dma_start3A_387] : memref<16384xf32, #tpu.memory_space<vmem>> -> memref<4096xf32, #tpu.memory_space<vmem>>
      %dma_start3A_389 = tpu.memref_slice %arg4[%add3A_386] : memref<104857600xf32, #tpu.memory_space<hbm>> -> memref<4096xf32, #tpu.memory_space<hbm>>
      %dma_start3A_390 = tpu.memref_slice %arg4[%add3A_386] : memref<104857600xf32, #tpu.memory_space<hbm>> -> memref<4096xf32, #tpu.memory_space<hbm>>
      %dma_start3A_391 = arith.constant 0 : i32
      %dma_start3A_392 = tpu.memref_slice %arg10[%dma_start3A_391] : memref<16384xf32, #tpu.memory_space<vmem>> -> memref<4096xf32, #tpu.memory_space<vmem>>
      tpu.enqueue_dma source(%dma_start3A_392 : memref<4096xf32, #tpu.memory_space<vmem>>) target(%dma_start3A_390 : memref<4096xf32, #tpu.memory_space<hbm>>) target_semaphore(%arg16 : memref<!tpu.dma_semaphore, #tpu.memory_space<semaphore_mem>>)
      %add3A_393 = arith.constant 131072 : i32
      %add3A_394 = arith.addi %add3A_384, %add3A_393 : i32
      %dma_start3A_395 = arith.constant 4096 : i32
      %dma_start3A_396 = tpu.memref_slice %arg10[%dma_start3A_395] : memref<16384xf32, #tpu.memory_space<vmem>> -> memref<4096xf32, #tpu.memory_space<vmem>>
      %dma_start3A_397 = tpu.memref_slice %arg4[%add3A_394] : memref<104857600xf32, #tpu.memory_space<hbm>> -> memref<4096xf32, #tpu.memory_space<hbm>>
      %dma_start3A_398 = tpu.memref_slice %arg4[%add3A_394] : memref<104857600xf32, #tpu.memory_space<hbm>> -> memref<4096xf32, #tpu.memory_space<hbm>>
      %dma_start3A_399 = arith.constant 4096 : i32
      %dma_start3A_400 = tpu.memref_slice %arg10[%dma_start3A_399] : memref<16384xf32, #tpu.memory_space<vmem>> -> memref<4096xf32, #tpu.memory_space<vmem>>
      tpu.enqueue_dma source(%dma_start3A_400 : memref<4096xf32, #tpu.memory_space<vmem>>) target(%dma_start3A_398 : memref<4096xf32, #tpu.memory_space<hbm>>) target_semaphore(%arg16 : memref<!tpu.dma_semaphore, #tpu.memory_space<semaphore_mem>>)
      %add3A_401 = arith.constant 262144 : i32
      %add3A_402 = arith.addi %add3A_384, %add3A_401 : i32
      %dma_start3A_403 = arith.constant 8192 : i32
      %dma_start3A_404 = tpu.memref_slice %arg10[%dma_start3A_403] : memref<16384xf32, #tpu.memory_space<vmem>> -> memref<4096xf32, #tpu.memory_space<vmem>>
      %dma_start3A_405 = tpu.memref_slice %arg4[%add3A_402] : memref<104857600xf32, #tpu.memory_space<hbm>> -> memref<4096xf32, #tpu.memory_space<hbm>>
      %dma_start3A_406 = tpu.memref_slice %arg4[%add3A_402] : memref<104857600xf32, #tpu.memory_space<hbm>> -> memref<4096xf32, #tpu.memory_space<hbm>>
      %dma_start3A_407 = arith.constant 8192 : i32
      %dma_start3A_408 = tpu.memref_slice %arg10[%dma_start3A_407] : memref<16384xf32, #tpu.memory_space<vmem>> -> memref<4096xf32, #tpu.memory_space<vmem>>
      tpu.enqueue_dma source(%dma_start3A_408 : memref<4096xf32, #tpu.memory_space<vmem>>) target(%dma_start3A_406 : memref<4096xf32, #tpu.memory_space<hbm>>) target_semaphore(%arg16 : memref<!tpu.dma_semaphore, #tpu.memory_space<semaphore_mem>>)
      %add3A_409 = arith.constant 393216 : i32
      %add3A_410 = arith.addi %add3A_384, %add3A_409 : i32
      %dma_start3A_411 = arith.constant 12288 : i32
      %dma_start3A_412 = tpu.memref_slice %arg10[%dma_start3A_411] : memref<16384xf32, #tpu.memory_space<vmem>> -> memref<4096xf32, #tpu.memory_space<vmem>>
      %dma_start3A_413 = tpu.memref_slice %arg4[%add3A_410] : memref<104857600xf32, #tpu.memory_space<hbm>> -> memref<4096xf32, #tpu.memory_space<hbm>>
      %dma_start3A_414 = tpu.memref_slice %arg4[%add3A_410] : memref<104857600xf32, #tpu.memory_space<hbm>> -> memref<4096xf32, #tpu.memory_space<hbm>>
      %dma_start3A_415 = arith.constant 12288 : i32
      %dma_start3A_416 = tpu.memref_slice %arg10[%dma_start3A_415] : memref<16384xf32, #tpu.memory_space<vmem>> -> memref<4096xf32, #tpu.memory_space<vmem>>
      tpu.enqueue_dma source(%dma_start3A_416 : memref<4096xf32, #tpu.memory_space<vmem>>) target(%dma_start3A_414 : memref<4096xf32, #tpu.memory_space<hbm>>) target_semaphore(%arg16 : memref<!tpu.dma_semaphore, #tpu.memory_space<semaphore_mem>>)
      %dma_wait3A_417 = arith.constant 0 : i32
      %dma_wait3A_418 = arith.constant 0 : i32
      %dma_wait3A_419 = tpu.memref_slice %arg3[%dma_wait3A_417, %dma_wait3A_418] : memref<25600x128xi32, #tpu.memory_space<hbm>> -> memref<4x128xi32, #tpu.memory_space<hbm>>
      %dma_wait3A_420 = arith.constant 0 : i32
      %dma_wait3A_421 = arith.constant 0 : i32
      %dma_wait3A_422 = tpu.memref_slice %arg3[%dma_wait3A_420, %dma_wait3A_421] : memref<25600x128xi32, #tpu.memory_space<hbm>> -> memref<4x128xi32, #tpu.memory_space<hbm>>
      tpu.wait_dma2 semaphore(%arg12 : memref<!tpu.dma_semaphore, #tpu.memory_space<semaphore_mem>>) src(%dma_wait3A_422 : memref<4x128xi32, #tpu.memory_space<hbm>>) dst(%arg6 : memref<4x128xi32, #tpu.memory_space<vmem>>)
      %mul3A_423 = arith.constant 2 : i32
      %mul3A_424 = arith.muli %mul3A_423, %scan3A_271 : i32
      %add3A_425 = arith.constant 3 : i32
      %add3A_426 = arith.addi %mul3A_424, %add3A_425 : i32
      %dma_start3A_427 = arith.constant 0 : i32
      %dma_start3A_428 = arith.constant 0 : i32
      %dma_start3A_429 = arith.constant 0 : i32
      %dma_start3A_430 = tpu.memref_slice %arg8[%dma_start3A_428, %dma_start3A_429] : memref<512x32xf32, #tpu.memory_space<vmem>> -> memref<128x32xf32, #tpu.memory_space<vmem>>
      %dma_start3A_431 = arith.constant 0 : i32
      %dma_start3A_432 = tpu.memref_slice %arg6[%dma_start3A_427, %dma_start3A_431] : memref<4x128xi32, #tpu.memory_space<vmem>> -> memref<1x128xi32, #tpu.memory_space<vmem>>
      %dma_start3A_433 = tpu.memref_squeeze %dma_start3A_432 : memref<1x128xi32, #tpu.memory_space<vmem>> -> memref<128xi32, #tpu.memory_space<vmem>>
      %dma_start3A_434 = arith.constant 0 : i32
      %dma_start3A_435 = arith.constant 0 : i32
      %dma_start3A_436 = tpu.memref_slice %arg2[%dma_start3A_434, %dma_start3A_435] : memref<100000x32xf32, #tpu.memory_space<hbm>> -> memref<100000x32xf32, #tpu.memory_space<hbm>>
      tpu.enqueue_indirect_dma source(%dma_start3A_436 : memref<100000x32xf32, #tpu.memory_space<hbm>>) target(%dma_start3A_430 : memref<128x32xf32, #tpu.memory_space<vmem>>) offsets(%dma_start3A_433 : memref<128xi32, #tpu.memory_space<vmem>>) semaphore(%arg14 : memref<!tpu.dma_semaphore, #tpu.memory_space<semaphore_mem>>)
      %dma_start3A_437 = arith.constant 1 : i32
      %dma_start3A_438 = arith.constant 128 : i32
      %dma_start3A_439 = arith.constant 0 : i32
      %dma_start3A_440 = tpu.memref_slice %arg8[%dma_start3A_438, %dma_start3A_439] : memref<512x32xf32, #tpu.memory_space<vmem>> -> memref<128x32xf32, #tpu.memory_space<vmem>>
      %dma_start3A_441 = arith.constant 0 : i32
      %dma_start3A_442 = tpu.memref_slice %arg6[%dma_start3A_437, %dma_start3A_441] : memref<4x128xi32, #tpu.memory_space<vmem>> -> memref<1x128xi32, #tpu.memory_space<vmem>>
      %dma_start3A_443 = tpu.memref_squeeze %dma_start3A_442 : memref<1x128xi32, #tpu.memory_space<vmem>> -> memref<128xi32, #tpu.memory_space<vmem>>
      %dma_start3A_444 = arith.constant 0 : i32
      %dma_start3A_445 = arith.constant 0 : i32
      %dma_start3A_446 = tpu.memref_slice %arg2[%dma_start3A_444, %dma_start3A_445] : memref<100000x32xf32, #tpu.memory_space<hbm>> -> memref<100000x32xf32, #tpu.memory_space<hbm>>
      tpu.enqueue_indirect_dma source(%dma_start3A_446 : memref<100000x32xf32, #tpu.memory_space<hbm>>) target(%dma_start3A_440 : memref<128x32xf32, #tpu.memory_space<vmem>>) offsets(%dma_start3A_443 : memref<128xi32, #tpu.memory_space<vmem>>) semaphore(%arg14 : memref<!tpu.dma_semaphore, #tpu.memory_space<semaphore_mem>>)
      %dma_start3A_447 = arith.constant 2 : i32
      %dma_start3A_448 = arith.constant 256 : i32
      %dma_start3A_449 = arith.constant 0 : i32
      %dma_start3A_450 = tpu.memref_slice %arg8[%dma_start3A_448, %dma_start3A_449] : memref<512x32xf32, #tpu.memory_space<vmem>> -> memref<128x32xf32, #tpu.memory_space<vmem>>
      %dma_start3A_451 = arith.constant 0 : i32
      %dma_start3A_452 = tpu.memref_slice %arg6[%dma_start3A_447, %dma_start3A_451] : memref<4x128xi32, #tpu.memory_space<vmem>> -> memref<1x128xi32, #tpu.memory_space<vmem>>
      %dma_start3A_453 = tpu.memref_squeeze %dma_start3A_452 : memref<1x128xi32, #tpu.memory_space<vmem>> -> memref<128xi32, #tpu.memory_space<vmem>>
      %dma_start3A_454 = arith.constant 0 : i32
      %dma_start3A_455 = arith.constant 0 : i32
      %dma_start3A_456 = tpu.memref_slice %arg2[%dma_start3A_454, %dma_start3A_455] : memref<100000x32xf32, #tpu.memory_space<hbm>> -> memref<100000x32xf32, #tpu.memory_space<hbm>>
      tpu.enqueue_indirect_dma source(%dma_start3A_456 : memref<100000x32xf32, #tpu.memory_space<hbm>>) target(%dma_start3A_450 : memref<128x32xf32, #tpu.memory_space<vmem>>) offsets(%dma_start3A_453 : memref<128xi32, #tpu.memory_space<vmem>>) semaphore(%arg14 : memref<!tpu.dma_semaphore, #tpu.memory_space<semaphore_mem>>)
      %dma_start3A_457 = arith.constant 3 : i32
      %dma_start3A_458 = arith.constant 384 : i32
      %dma_start3A_459 = arith.constant 0 : i32
      %dma_start3A_460 = tpu.memref_slice %arg8[%dma_start3A_458, %dma_start3A_459] : memref<512x32xf32, #tpu.memory_space<vmem>> -> memref<128x32xf32, #tpu.memory_space<vmem>>
      %dma_start3A_461 = arith.constant 0 : i32
      %dma_start3A_462 = tpu.memref_slice %arg6[%dma_start3A_457, %dma_start3A_461] : memref<4x128xi32, #tpu.memory_space<vmem>> -> memref<1x128xi32, #tpu.memory_space<vmem>>
      %dma_start3A_463 = tpu.memref_squeeze %dma_start3A_462 : memref<1x128xi32, #tpu.memory_space<vmem>> -> memref<128xi32, #tpu.memory_space<vmem>>
      %dma_start3A_464 = arith.constant 0 : i32
      %dma_start3A_465 = arith.constant 0 : i32
      %dma_start3A_466 = tpu.memref_slice %arg2[%dma_start3A_464, %dma_start3A_465] : memref<100000x32xf32, #tpu.memory_space<hbm>> -> memref<100000x32xf32, #tpu.memory_space<hbm>>
      tpu.enqueue_indirect_dma source(%dma_start3A_466 : memref<100000x32xf32, #tpu.memory_space<hbm>>) target(%dma_start3A_460 : memref<128x32xf32, #tpu.memory_space<vmem>>) offsets(%dma_start3A_463 : memref<128xi32, #tpu.memory_space<vmem>>) semaphore(%arg14 : memref<!tpu.dma_semaphore, #tpu.memory_space<semaphore_mem>>)
      %dma_wait3A_467 = arith.constant 0 : i32
      %dma_wait3A_468 = arith.constant 0 : i32
      %dma_wait3A_469 = tpu.memref_slice %arg2[%dma_wait3A_467, %dma_wait3A_468] : memref<100000x32xf32, #tpu.memory_space<hbm>> -> memref<512x32xf32, #tpu.memory_space<hbm>>
      %dma_wait3A_470 = arith.constant 0 : i32
      %dma_wait3A_471 = arith.constant 0 : i32
      %dma_wait3A_472 = tpu.memref_slice %arg2[%dma_wait3A_470, %dma_wait3A_471] : memref<100000x32xf32, #tpu.memory_space<hbm>> -> memref<512x32xf32, #tpu.memory_space<hbm>>
      tpu.wait_dma2 semaphore(%arg13 : memref<!tpu.dma_semaphore, #tpu.memory_space<semaphore_mem>>) src(%dma_wait3A_472 : memref<512x32xf32, #tpu.memory_space<hbm>>) dst(%arg7 : memref<512x32xf32, #tpu.memory_space<vmem>>)
      %lt3A = arith.constant 98 : i32
      %lt3A_473 = arith.cmpi slt, %scan3A_271, %lt3A : i32
      %convert_element_type3A_474 = arith.extui %lt3A_473 : i1 to i32
      %cond3A_475 = arith.constant 0 : i32
      %cond3A_476 = arith.cmpi ne, %convert_element_type3A_474, %cond3A_475 : i32
      scf.if %cond3A_476 {
        %mul3A_557 = arith.constant 2 : i32
        %mul3A_558 = arith.muli %mul3A_557, %scan3A_271 : i32
        %add3A_559 = arith.constant 4 : i32
        %add3A_560 = arith.addi %mul3A_558, %add3A_559 : i32
        %mul3A_561 = arith.constant 4 : i32
        %mul3A_562 = arith.muli %add3A_560, %mul3A_561 : i32
        %add3A_563 = arith.addi %mul3A_2, %mul3A_562 : i32
        %dma_start3A_564 = arith.constant 0 : i32
        %dma_start3A_565 = tpu.memref_slice %arg3[%add3A_563, %dma_start3A_564] : memref<25600x128xi32, #tpu.memory_space<hbm>> -> memref<4x128xi32, #tpu.memory_space<hbm>>
        %dma_start3A_566 = arith.constant 0 : i32
        %dma_start3A_567 = tpu.memref_slice %arg3[%add3A_563, %dma_start3A_566] : memref<25600x128xi32, #tpu.memory_space<hbm>> -> memref<4x128xi32, #tpu.memory_space<hbm>>
        tpu.enqueue_dma source(%dma_start3A_567 : memref<4x128xi32, #tpu.memory_space<hbm>>) target(%arg5 : memref<4x128xi32, #tpu.memory_space<vmem>>) target_semaphore(%arg11 : memref<!tpu.dma_semaphore, #tpu.memory_space<semaphore_mem>>)
      } else {
      }
      %dma_wait3A_477 = arith.constant 0 : i32
      %dma_wait3A_478 = tpu.memref_slice %arg4[%dma_wait3A_477] : memref<104857600xf32, #tpu.memory_space<hbm>> -> memref<16384xf32, #tpu.memory_space<hbm>>
      %dma_wait3A_479 = arith.constant 0 : i32
      %dma_wait3A_480 = tpu.memref_slice %arg4[%dma_wait3A_479] : memref<104857600xf32, #tpu.memory_space<hbm>> -> memref<16384xf32, #tpu.memory_space<hbm>>
      tpu.wait_dma2 semaphore(%arg15 : memref<!tpu.dma_semaphore, #tpu.memory_space<semaphore_mem>>) src(%arg9 : memref<16384xf32, #tpu.memory_space<vmem>>) dst(%dma_wait3A_480 : memref<16384xf32, #tpu.memory_space<hbm>>)
      %iota3A_481 = tpu.iota {dimensions = array<i32: 0>} : vector<16xi32>
      %broadcast_in_dim3A_482 = arith.constant 0 : i32
      %broadcast_in_dim3A_483 = vector.broadcast %broadcast_in_dim3A_482 : i32 to vector<16xi32>
      %parallel_loop3A_484 = arith.constant 0 : i32
      %parallel_loop3A_485 = arith.constant 32 : i32
      %parallel_loop3A_486 = arith.constant 1 : i32
      scf.for %parallel_loop3A_557 = %parallel_loop3A_484 to %parallel_loop3A_485 step %parallel_loop3A_486  : i32 {
        %parallel_loop3A_558 = vector.broadcast %parallel_loop3A_557 : i32 to vector<16xi32>
        %parallel_loop3A_559 = arith.addi %parallel_loop3A_558, %iota3A_481 : vector<16xi32>
        %parallel_loop3A_560 = arith.constant 31 : i32
        %parallel_loop3A_561 = vector.broadcast %parallel_loop3A_560 : i32 to vector<16xi32>
        %parallel_loop3A_562 = arith.andi %parallel_loop3A_559, %parallel_loop3A_561 : vector<16xi32>
        %parallel_loop3A_563 = arith.constant 5 : i32
        %parallel_loop3A_564 = vector.broadcast %parallel_loop3A_563 : i32 to vector<16xi32>
        %parallel_loop3A_565 = arith.shli %iota3A_481, %parallel_loop3A_564 : vector<16xi32>
        %parallel_loop3A_566 = arith.addi %parallel_loop3A_565, %parallel_loop3A_562 : vector<16xi32>
        %parallel_loop3A_567 = arith.constant 3 : i32
        %parallel_loop3A_568 = vector.broadcast %parallel_loop3A_567 : i32 to vector<16xi32>
        %parallel_loop3A_569 = arith.shrsi %parallel_loop3A_562, %parallel_loop3A_568 : vector<16xi32>
        %parallel_loop3A_570 = arith.constant 12 : i32
        %parallel_loop3A_571 = vector.broadcast %parallel_loop3A_570 : i32 to vector<16xi32>
        %parallel_loop3A_572 = arith.shli %parallel_loop3A_569, %parallel_loop3A_571 : vector<16xi32>
        %parallel_loop3A_573 = arith.constant 7 : i32
        %parallel_loop3A_574 = vector.broadcast %parallel_loop3A_573 : i32 to vector<16xi32>
        %parallel_loop3A_575 = arith.andi %parallel_loop3A_562, %parallel_loop3A_574 : vector<16xi32>
        %parallel_loop3A_576 = arith.constant 7 : i32
        %parallel_loop3A_577 = vector.broadcast %parallel_loop3A_576 : i32 to vector<16xi32>
        %parallel_loop3A_578 = arith.shli %parallel_loop3A_575, %parallel_loop3A_577 : vector<16xi32>
        %parallel_loop3A_579 = arith.addi %parallel_loop3A_572, %parallel_loop3A_578 : vector<16xi32>
        %parallel_loop3A_580 = arith.addi %parallel_loop3A_579, %iota3A_481 : vector<16xi32>
        %parallel_loop3A_581 = arith.constant 0 : i32
        %parallel_loop3A_582 = arith.constant 32 : i32
        %parallel_loop3A_583 = arith.constant 1 : i32
        scf.for %parallel_loop3A_584 = %parallel_loop3A_581 to %parallel_loop3A_582 step %parallel_loop3A_583  : i32 {
          %parallel_loop3A_585 = arith.constant 3 : i32
          %parallel_loop3A_586 = arith.shrsi %parallel_loop3A_584, %parallel_loop3A_585 : i32
          %parallel_loop3A_587 = arith.constant 10 : i32
          %parallel_loop3A_588 = arith.shli %parallel_loop3A_586, %parallel_loop3A_587 : i32
          %parallel_loop3A_589 = arith.constant 7 : i32
          %parallel_loop3A_590 = arith.andi %parallel_loop3A_584, %parallel_loop3A_589 : i32
          %parallel_loop3A_591 = arith.constant 4 : i32
          %parallel_loop3A_592 = arith.shli %parallel_loop3A_590, %parallel_loop3A_591 : i32
          %parallel_loop3A_593 = arith.addi %parallel_loop3A_588, %parallel_loop3A_592 : i32
          %parallel_loop3A_594 = arith.constant 9 : i32
          %parallel_loop3A_595 = arith.shli %parallel_loop3A_584, %parallel_loop3A_594 : i32
          %parallel_loop3A_596 = vector.broadcast %parallel_loop3A_595 : i32 to vector<16xi32>
          %parallel_loop3A_597 = arith.addi %parallel_loop3A_566, %parallel_loop3A_596 : vector<16xi32>
          %parallel_loop3A_598 = tpu.vector_load_idx %arg7[%broadcast_in_dim3A_483, %parallel_loop3A_597] : memref<512x32xf32, #tpu.memory_space<vmem>>[vector<16xi32>, vector<16xi32>], vector<16xf32>,
          %parallel_loop3A_599 = vector.broadcast %parallel_loop3A_593 : i32 to vector<16xi32>
          %parallel_loop3A_600 = arith.addi %parallel_loop3A_580, %parallel_loop3A_599 : vector<16xi32>
          tpu.vector_store_idx %arg9[%parallel_loop3A_600], %parallel_loop3A_598 : memref<16384xf32, #tpu.memory_space<vmem>>[vector<16xi32>], vector<16xf32>,
        } {sc.loop_unroll_factor = 8 : i64, sc.parallel_access}
      } {sc.loop_unroll_factor = 1 : i64, sc.parallel_access}
      %mul3A_487 = arith.constant 2 : i32
      %mul3A_488 = arith.muli %mul3A_487, %scan3A_271 : i32
      %add3A_489 = arith.constant 2 : i32
      %add3A_490 = arith.addi %mul3A_488, %add3A_489 : i32
      %mul3A_491 = arith.constant 4 : i32
      %mul3A_492 = arith.muli %add3A_490, %mul3A_491 : i32
      %add3A_493 = arith.addi %mul3A_2, %mul3A_492 : i32
      %jit3A_494 = arith.constant 128 : i32
      %div3A_495 = arith.divsi %add3A_493, %jit3A_494 : i32
      %sign3A_496 = arith.constant 0 : i32
      %sign3A_497 = arith.cmpi sgt, %add3A_493, %sign3A_496 : i32
      %sign3A_498 = arith.extui %sign3A_497 : i1 to i32
      %sign3A_499 = arith.constant 0 : i32
      %sign3A_500 = arith.cmpi slt, %add3A_493, %sign3A_499 : i32
      %sign3A_501 = arith.extui %sign3A_500 : i1 to i32
      %sign3A_502 = arith.subi %sign3A_498, %sign3A_501 : i32
      %sign3A_503 = arith.constant 0 : i32
      %sign3A_504 = arith.cmpi sgt, %jit3A_494, %sign3A_503 : i32
      %sign3A_505 = arith.extui %sign3A_504 : i1 to i32
      %sign3A_506 = arith.constant 0 : i32
      %sign3A_507 = arith.cmpi slt, %jit3A_494, %sign3A_506 : i32
      %sign3A_508 = arith.extui %sign3A_507 : i1 to i32
      %sign3A_509 = arith.subi %sign3A_505, %sign3A_508 : i32
      %ne3A_510 = arith.cmpi ne, %sign3A_502, %sign3A_509 : i32
      %rem3A_511 = arith.remsi %add3A_493, %jit3A_494 : i32
      %ne3A_512 = arith.constant 0 : i32
      %ne3A_513 = arith.cmpi ne, %rem3A_511, %ne3A_512 : i32
      %and3A_514 = arith.andi %ne3A_510, %ne3A_513 : i1
      %sub3A_515 = arith.constant 1 : i32
      %sub3A_516 = arith.subi %div3A_495, %sub3A_515 : i32
      %select_n3A_517 = arith.select %and3A_514, %sub3A_516, %div3A_495 : i32
      %rem3A_518 = arith.constant 128 : i32
      %rem3A_519 = arith.remsi %add3A_493, %rem3A_518 : i32
      %mul3A_520 = arith.constant 524288 : i32
      %mul3A_521 = arith.muli %select_n3A_517, %mul3A_520 : i32
      %mul3A_522 = arith.constant 1024 : i32
      %mul3A_523 = arith.muli %rem3A_519, %mul3A_522 : i32
      %add3A_524 = arith.addi %mul3A_521, %mul3A_523 : i32
      %add3A_525 = arith.constant 0 : i32
      %add3A_526 = arith.addi %add3A_524, %add3A_525 : i32
      %dma_start3A_527 = arith.constant 0 : i32
      %dma_start3A_528 = tpu.memref_slice %arg9[%dma_start3A_527] : memref<16384xf32, #tpu.memory_space<vmem>> -> memref<4096xf32, #tpu.memory_space<vmem>>
      %dma_start3A_529 = tpu.memref_slice %arg4[%add3A_526] : memref<104857600xf32, #tpu.memory_space<hbm>> -> memref<4096xf32, #tpu.memory_space<hbm>>
      %dma_start3A_530 = tpu.memref_slice %arg4[%add3A_526] : memref<104857600xf32, #tpu.memory_space<hbm>> -> memref<4096xf32, #tpu.memory_space<hbm>>
      %dma_start3A_531 = arith.constant 0 : i32
      %dma_start3A_532 = tpu.memref_slice %arg9[%dma_start3A_531] : memref<16384xf32, #tpu.memory_space<vmem>> -> memref<4096xf32, #tpu.memory_space<vmem>>
      tpu.enqueue_dma source(%dma_start3A_532 : memref<4096xf32, #tpu.memory_space<vmem>>) target(%dma_start3A_530 : memref<4096xf32, #tpu.memory_space<hbm>>) target_semaphore(%arg15 : memref<!tpu.dma_semaphore, #tpu.memory_space<semaphore_mem>>)
      %add3A_533 = arith.constant 131072 : i32
      %add3A_534 = arith.addi %add3A_524, %add3A_533 : i32
      %dma_start3A_535 = arith.constant 4096 : i32
      %dma_start3A_536 = tpu.memref_slice %arg9[%dma_start3A_535] : memref<16384xf32, #tpu.memory_space<vmem>> -> memref<4096xf32, #tpu.memory_space<vmem>>
      %dma_start3A_537 = tpu.memref_slice %arg4[%add3A_534] : memref<104857600xf32, #tpu.memory_space<hbm>> -> memref<4096xf32, #tpu.memory_space<hbm>>
      %dma_start3A_538 = tpu.memref_slice %arg4[%add3A_534] : memref<104857600xf32, #tpu.memory_space<hbm>> -> memref<4096xf32, #tpu.memory_space<hbm>>
      %dma_start3A_539 = arith.constant 4096 : i32
      %dma_start3A_540 = tpu.memref_slice %arg9[%dma_start3A_539] : memref<16384xf32, #tpu.memory_space<vmem>> -> memref<4096xf32, #tpu.memory_space<vmem>>
      tpu.enqueue_dma source(%dma_start3A_540 : memref<4096xf32, #tpu.memory_space<vmem>>) target(%dma_start3A_538 : memref<4096xf32, #tpu.memory_space<hbm>>) target_semaphore(%arg15 : memref<!tpu.dma_semaphore, #tpu.memory_space<semaphore_mem>>)
      %add3A_541 = arith.constant 262144 : i32
      %add3A_542 = arith.addi %add3A_524, %add3A_541 : i32
      %dma_start3A_543 = arith.constant 8192 : i32
      %dma_start3A_544 = tpu.memref_slice %arg9[%dma_start3A_543] : memref<16384xf32, #tpu.memory_space<vmem>> -> memref<4096xf32, #tpu.memory_space<vmem>>
      %dma_start3A_545 = tpu.memref_slice %arg4[%add3A_542] : memref<104857600xf32, #tpu.memory_space<hbm>> -> memref<4096xf32, #tpu.memory_space<hbm>>
      %dma_start3A_546 = tpu.memref_slice %arg4[%add3A_542] : memref<104857600xf32, #tpu.memory_space<hbm>> -> memref<4096xf32, #tpu.memory_space<hbm>>
      %dma_start3A_547 = arith.constant 8192 : i32
      %dma_start3A_548 = tpu.memref_slice %arg9[%dma_start3A_547] : memref<16384xf32, #tpu.memory_space<vmem>> -> memref<4096xf32, #tpu.memory_space<vmem>>
      tpu.enqueue_dma source(%dma_start3A_548 : memref<4096xf32, #tpu.memory_space<vmem>>) target(%dma_start3A_546 : memref<4096xf32, #tpu.memory_space<hbm>>) target_semaphore(%arg15 : memref<!tpu.dma_semaphore, #tpu.memory_space<semaphore_mem>>)
      %add3A_549 = arith.constant 393216 : i32
      %add3A_550 = arith.addi %add3A_524, %add3A_549 : i32
      %dma_start3A_551 = arith.constant 12288 : i32
      %dma_start3A_552 = tpu.memref_slice %arg9[%dma_start3A_551] : memref<16384xf32, #tpu.memory_space<vmem>> -> memref<4096xf32, #tpu.memory_space<vmem>>
      %dma_start3A_553 = tpu.memref_slice %arg4[%add3A_550] : memref<104857600xf32, #tpu.memory_space<hbm>> -> memref<4096xf32, #tpu.memory_space<hbm>>
      %dma_start3A_554 = tpu.memref_slice %arg4[%add3A_550] : memref<104857600xf32, #tpu.memory_space<hbm>> -> memref<4096xf32, #tpu.memory_space<hbm>>
      %dma_start3A_555 = arith.constant 12288 : i32
      %dma_start3A_556 = tpu.memref_slice %arg9[%dma_start3A_555] : memref<16384xf32, #tpu.memory_space<vmem>> -> memref<4096xf32, #tpu.memory_space<vmem>>
      tpu.enqueue_dma source(%dma_start3A_556 : memref<4096xf32, #tpu.memory_space<vmem>>) target(%dma_start3A_554 : memref<4096xf32, #tpu.memory_space<hbm>>) target_semaphore(%arg15 : memref<!tpu.dma_semaphore, #tpu.memory_space<semaphore_mem>>)
    }
    %scan3A_181 = arith.constant 99 : i32
    %dma_wait3A_182 = arith.constant 0 : i32
    %dma_wait3A_183 = arith.constant 0 : i32
    %dma_wait3A_184 = tpu.memref_slice %arg2[%dma_wait3A_182, %dma_wait3A_183] : memref<100000x32xf32, #tpu.memory_space<hbm>> -> memref<512x32xf32, #tpu.memory_space<hbm>>
    %dma_wait3A_185 = arith.constant 0 : i32
    %dma_wait3A_186 = arith.constant 0 : i32
    %dma_wait3A_187 = tpu.memref_slice %arg2[%dma_wait3A_185, %dma_wait3A_186] : memref<100000x32xf32, #tpu.memory_space<hbm>> -> memref<512x32xf32, #tpu.memory_space<hbm>>
    tpu.wait_dma2 semaphore(%arg14 : memref<!tpu.dma_semaphore, #tpu.memory_space<semaphore_mem>>) src(%dma_wait3A_187 : memref<512x32xf32, #tpu.memory_space<hbm>>) dst(%arg8 : memref<512x32xf32, #tpu.memory_space<vmem>>)
    %dma_wait3A_188 = arith.constant 0 : i32
    %dma_wait3A_189 = tpu.memref_slice %arg4[%dma_wait3A_188] : memref<104857600xf32, #tpu.memory_space<hbm>> -> memref<16384xf32, #tpu.memory_space<hbm>>
    %dma_wait3A_190 = arith.constant 0 : i32
    %dma_wait3A_191 = tpu.memref_slice %arg4[%dma_wait3A_190] : memref<104857600xf32, #tpu.memory_space<hbm>> -> memref<16384xf32, #tpu.memory_space<hbm>>
    tpu.wait_dma2 semaphore(%arg16 : memref<!tpu.dma_semaphore, #tpu.memory_space<semaphore_mem>>) src(%arg10 : memref<16384xf32, #tpu.memory_space<vmem>>) dst(%dma_wait3A_191 : memref<16384xf32, #tpu.memory_space<hbm>>)
    %iota3A_192 = tpu.iota {dimensions = array<i32: 0>} : vector<16xi32>
    %broadcast_in_dim3A_193 = arith.constant 0 : i32
    %broadcast_in_dim3A_194 = vector.broadcast %broadcast_in_dim3A_193 : i32 to vector<16xi32>
    %parallel_loop3A_195 = arith.constant 0 : i32
    %parallel_loop3A_196 = arith.constant 32 : i32
    %parallel_loop3A_197 = arith.constant 1 : i32
    scf.for %parallel_loop3A_271 = %parallel_loop3A_195 to %parallel_loop3A_196 step %parallel_loop3A_197  : i32 {
      %parallel_loop3A_272 = vector.broadcast %parallel_loop3A_271 : i32 to vector<16xi32>
      %parallel_loop3A_273 = arith.addi %parallel_loop3A_272, %iota3A_192 : vector<16xi32>
      %parallel_loop3A_274 = arith.constant 31 : i32
      %parallel_loop3A_275 = vector.broadcast %parallel_loop3A_274 : i32 to vector<16xi32>
      %parallel_loop3A_276 = arith.andi %parallel_loop3A_273, %parallel_loop3A_275 : vector<16xi32>
      %parallel_loop3A_277 = arith.constant 5 : i32
      %parallel_loop3A_278 = vector.broadcast %parallel_loop3A_277 : i32 to vector<16xi32>
      %parallel_loop3A_279 = arith.shli %iota3A_192, %parallel_loop3A_278 : vector<16xi32>
      %parallel_loop3A_280 = arith.addi %parallel_loop3A_279, %parallel_loop3A_276 : vector<16xi32>
      %parallel_loop3A_281 = arith.constant 3 : i32
      %parallel_loop3A_282 = vector.broadcast %parallel_loop3A_281 : i32 to vector<16xi32>
      %parallel_loop3A_283 = arith.shrsi %parallel_loop3A_276, %parallel_loop3A_282 : vector<16xi32>
      %parallel_loop3A_284 = arith.constant 12 : i32
      %parallel_loop3A_285 = vector.broadcast %parallel_loop3A_284 : i32 to vector<16xi32>
      %parallel_loop3A_286 = arith.shli %parallel_loop3A_283, %parallel_loop3A_285 : vector<16xi32>
      %parallel_loop3A_287 = arith.constant 7 : i32
      %parallel_loop3A_288 = vector.broadcast %parallel_loop3A_287 : i32 to vector<16xi32>
      %parallel_loop3A_289 = arith.andi %parallel_loop3A_276, %parallel_loop3A_288 : vector<16xi32>
      %parallel_loop3A_290 = arith.constant 7 : i32
      %parallel_loop3A_291 = vector.broadcast %parallel_loop3A_290 : i32 to vector<16xi32>
      %parallel_loop3A_292 = arith.shli %parallel_loop3A_289, %parallel_loop3A_291 : vector<16xi32>
      %parallel_loop3A_293 = arith.addi %parallel_loop3A_286, %parallel_loop3A_292 : vector<16xi32>
      %parallel_loop3A_294 = arith.addi %parallel_loop3A_293, %iota3A_192 : vector<16xi32>
      %parallel_loop3A_295 = arith.constant 0 : i32
      %parallel_loop3A_296 = arith.constant 32 : i32
      %parallel_loop3A_297 = arith.constant 1 : i32
      scf.for %parallel_loop3A_298 = %parallel_loop3A_295 to %parallel_loop3A_296 step %parallel_loop3A_297  : i32 {
        %parallel_loop3A_299 = arith.constant 3 : i32
        %parallel_loop3A_300 = arith.shrsi %parallel_loop3A_298, %parallel_loop3A_299 : i32
        %parallel_loop3A_301 = arith.constant 10 : i32
        %parallel_loop3A_302 = arith.shli %parallel_loop3A_300, %parallel_loop3A_301 : i32
        %parallel_loop3A_303 = arith.constant 7 : i32
        %parallel_loop3A_304 = arith.andi %parallel_loop3A_298, %parallel_loop3A_303 : i32
        %parallel_loop3A_305 = arith.constant 4 : i32
        %parallel_loop3A_306 = arith.shli %parallel_loop3A_304, %parallel_loop3A_305 : i32
        %parallel_loop3A_307 = arith.addi %parallel_loop3A_302, %parallel_loop3A_306 : i32
        %parallel_loop3A_308 = arith.constant 9 : i32
        %parallel_loop3A_309 = arith.shli %parallel_loop3A_298, %parallel_loop3A_308 : i32
        %parallel_loop3A_310 = vector.broadcast %parallel_loop3A_309 : i32 to vector<16xi32>
        %parallel_loop3A_311 = arith.addi %parallel_loop3A_280, %parallel_loop3A_310 : vector<16xi32>
        %parallel_loop3A_312 = tpu.vector_load_idx %arg8[%broadcast_in_dim3A_194, %parallel_loop3A_311] : memref<512x32xf32, #tpu.memory_space<vmem>>[vector<16xi32>, vector<16xi32>], vector<16xf32>,
        %parallel_loop3A_313 = vector.broadcast %parallel_loop3A_307 : i32 to vector<16xi32>
        %parallel_loop3A_314 = arith.addi %parallel_loop3A_294, %parallel_loop3A_313 : vector<16xi32>
        tpu.vector_store_idx %arg10[%parallel_loop3A_314], %parallel_loop3A_312 : memref<16384xf32, #tpu.memory_space<vmem>>[vector<16xi32>], vector<16xf32>,
      } {sc.loop_unroll_factor = 8 : i64, sc.parallel_access}
    } {sc.loop_unroll_factor = 1 : i64, sc.parallel_access}
    %add3A_198 = arith.constant 796 : i32
    %add3A_199 = arith.addi %mul3A_2, %add3A_198 : i32
    %jit3A_200 = arith.constant 128 : i32
    %div3A_201 = arith.divsi %add3A_199, %jit3A_200 : i32
    %sign3A_202 = arith.constant 0 : i32
    %sign3A_203 = arith.cmpi sgt, %add3A_199, %sign3A_202 : i32
    %sign3A_204 = arith.extui %sign3A_203 : i1 to i32
    %sign3A_205 = arith.constant 0 : i32
    %sign3A_206 = arith.cmpi slt, %add3A_199, %sign3A_205 : i32
    %sign3A_207 = arith.extui %sign3A_206 : i1 to i32
    %sign3A_208 = arith.subi %sign3A_204, %sign3A_207 : i32
    %sign3A_209 = arith.constant 0 : i32
    %sign3A_210 = arith.cmpi sgt, %jit3A_200, %sign3A_209 : i32
    %sign3A_211 = arith.extui %sign3A_210 : i1 to i32
    %sign3A_212 = arith.constant 0 : i32
    %sign3A_213 = arith.cmpi slt, %jit3A_200, %sign3A_212 : i32
    %sign3A_214 = arith.extui %sign3A_213 : i1 to i32
    %sign3A_215 = arith.subi %sign3A_211, %sign3A_214 : i32
    %ne3A_216 = arith.cmpi ne, %sign3A_208, %sign3A_215 : i32
    %rem3A_217 = arith.remsi %add3A_199, %jit3A_200 : i32
    %ne3A_218 = arith.constant 0 : i32
    %ne3A_219 = arith.cmpi ne, %rem3A_217, %ne3A_218 : i32
    %and3A_220 = arith.andi %ne3A_216, %ne3A_219 : i1
    %sub3A_221 = arith.constant 1 : i32
    %sub3A_222 = arith.subi %div3A_201, %sub3A_221 : i32
    %select_n3A_223 = arith.select %and3A_220, %sub3A_222, %div3A_201 : i32
    %rem3A_224 = arith.constant 128 : i32
    %rem3A_225 = arith.remsi %add3A_199, %rem3A_224 : i32
    %mul3A_226 = arith.constant 524288 : i32
    %mul3A_227 = arith.muli %select_n3A_223, %mul3A_226 : i32
    %mul3A_228 = arith.constant 1024 : i32
    %mul3A_229 = arith.muli %rem3A_225, %mul3A_228 : i32
    %add3A_230 = arith.addi %mul3A_227, %mul3A_229 : i32
    %add3A_231 = arith.constant 0 : i32
    %add3A_232 = arith.addi %add3A_230, %add3A_231 : i32
    %dma_start3A_233 = arith.constant 0 : i32
    %dma_start3A_234 = tpu.memref_slice %arg10[%dma_start3A_233] : memref<16384xf32, #tpu.memory_space<vmem>> -> memref<4096xf32, #tpu.memory_space<vmem>>
    %dma_start3A_235 = tpu.memref_slice %arg4[%add3A_232] : memref<104857600xf32, #tpu.memory_space<hbm>> -> memref<4096xf32, #tpu.memory_space<hbm>>
    %dma_start3A_236 = tpu.memref_slice %arg4[%add3A_232] : memref<104857600xf32, #tpu.memory_space<hbm>> -> memref<4096xf32, #tpu.memory_space<hbm>>
    %dma_start3A_237 = arith.constant 0 : i32
    %dma_start3A_238 = tpu.memref_slice %arg10[%dma_start3A_237] : memref<16384xf32, #tpu.memory_space<vmem>> -> memref<4096xf32, #tpu.memory_space<vmem>>
    tpu.enqueue_dma source(%dma_start3A_238 : memref<4096xf32, #tpu.memory_space<vmem>>) target(%dma_start3A_236 : memref<4096xf32, #tpu.memory_space<hbm>>) target_semaphore(%arg16 : memref<!tpu.dma_semaphore, #tpu.memory_space<semaphore_mem>>)
    %add3A_239 = arith.constant 131072 : i32
    %add3A_240 = arith.addi %add3A_230, %add3A_239 : i32
    %dma_start3A_241 = arith.constant 4096 : i32
    %dma_start3A_242 = tpu.memref_slice %arg10[%dma_start3A_241] : memref<16384xf32, #tpu.memory_space<vmem>> -> memref<4096xf32, #tpu.memory_space<vmem>>
    %dma_start3A_243 = tpu.memref_slice %arg4[%add3A_240] : memref<104857600xf32, #tpu.memory_space<hbm>> -> memref<4096xf32, #tpu.memory_space<hbm>>
    %dma_start3A_244 = tpu.memref_slice %arg4[%add3A_240] : memref<104857600xf32, #tpu.memory_space<hbm>> -> memref<4096xf32, #tpu.memory_space<hbm>>
    %dma_start3A_245 = arith.constant 4096 : i32
    %dma_start3A_246 = tpu.memref_slice %arg10[%dma_start3A_245] : memref<16384xf32, #tpu.memory_space<vmem>> -> memref<4096xf32, #tpu.memory_space<vmem>>
    tpu.enqueue_dma source(%dma_start3A_246 : memref<4096xf32, #tpu.memory_space<vmem>>) target(%dma_start3A_244 : memref<4096xf32, #tpu.memory_space<hbm>>) target_semaphore(%arg16 : memref<!tpu.dma_semaphore, #tpu.memory_space<semaphore_mem>>)
    %add3A_247 = arith.constant 262144 : i32
    %add3A_248 = arith.addi %add3A_230, %add3A_247 : i32
    %dma_start3A_249 = arith.constant 8192 : i32
    %dma_start3A_250 = tpu.memref_slice %arg10[%dma_start3A_249] : memref<16384xf32, #tpu.memory_space<vmem>> -> memref<4096xf32, #tpu.memory_space<vmem>>
    %dma_start3A_251 = tpu.memref_slice %arg4[%add3A_248] : memref<104857600xf32, #tpu.memory_space<hbm>> -> memref<4096xf32, #tpu.memory_space<hbm>>
    %dma_start3A_252 = tpu.memref_slice %arg4[%add3A_248] : memref<104857600xf32, #tpu.memory_space<hbm>> -> memref<4096xf32, #tpu.memory_space<hbm>>
    %dma_start3A_253 = arith.constant 8192 : i32
    %dma_start3A_254 = tpu.memref_slice %arg10[%dma_start3A_253] : memref<16384xf32, #tpu.memory_space<vmem>> -> memref<4096xf32, #tpu.memory_space<vmem>>
    tpu.enqueue_dma source(%dma_start3A_254 : memref<4096xf32, #tpu.memory_space<vmem>>) target(%dma_start3A_252 : memref<4096xf32, #tpu.memory_space<hbm>>) target_semaphore(%arg16 : memref<!tpu.dma_semaphore, #tpu.memory_space<semaphore_mem>>)
    %add3A_255 = arith.constant 393216 : i32
    %add3A_256 = arith.addi %add3A_230, %add3A_255 : i32
    %dma_start3A_257 = arith.constant 12288 : i32
    %dma_start3A_258 = tpu.memref_slice %arg10[%dma_start3A_257] : memref<16384xf32, #tpu.memory_space<vmem>> -> memref<4096xf32, #tpu.memory_space<vmem>>
    %dma_start3A_259 = tpu.memref_slice %arg4[%add3A_256] : memref<104857600xf32, #tpu.memory_space<hbm>> -> memref<4096xf32, #tpu.memory_space<hbm>>
    %dma_start3A_260 = tpu.memref_slice %arg4[%add3A_256] : memref<104857600xf32, #tpu.memory_space<hbm>> -> memref<4096xf32, #tpu.memory_space<hbm>>
    %dma_start3A_261 = arith.constant 12288 : i32
    %dma_start3A_262 = tpu.memref_slice %arg10[%dma_start3A_261] : memref<16384xf32, #tpu.memory_space<vmem>> -> memref<4096xf32, #tpu.memory_space<vmem>>
    tpu.enqueue_dma source(%dma_start3A_262 : memref<4096xf32, #tpu.memory_space<vmem>>) target(%dma_start3A_260 : memref<4096xf32, #tpu.memory_space<hbm>>) target_semaphore(%arg16 : memref<!tpu.dma_semaphore, #tpu.memory_space<semaphore_mem>>)
    %dma_wait3A_263 = arith.constant 0 : i32
    %dma_wait3A_264 = tpu.memref_slice %arg4[%dma_wait3A_263] : memref<104857600xf32, #tpu.memory_space<hbm>> -> memref<16384xf32, #tpu.memory_space<hbm>>
    %dma_wait3A_265 = arith.constant 0 : i32
    %dma_wait3A_266 = tpu.memref_slice %arg4[%dma_wait3A_265] : memref<104857600xf32, #tpu.memory_space<hbm>> -> memref<16384xf32, #tpu.memory_space<hbm>>
    tpu.wait_dma2 semaphore(%arg15 : memref<!tpu.dma_semaphore, #tpu.memory_space<semaphore_mem>>) src(%arg9 : memref<16384xf32, #tpu.memory_space<vmem>>) dst(%dma_wait3A_266 : memref<16384xf32, #tpu.memory_space<hbm>>)
    %dma_wait3A_267 = arith.constant 0 : i32
    %dma_wait3A_268 = tpu.memref_slice %arg4[%dma_wait3A_267] : memref<104857600xf32, #tpu.memory_space<hbm>> -> memref<16384xf32, #tpu.memory_space<hbm>>
    %dma_wait3A_269 = arith.constant 0 : i32
    %dma_wait3A_270 = tpu.memref_slice %arg4[%dma_wait3A_269] : memref<104857600xf32, #tpu.memory_space<hbm>> -> memref<16384xf32, #tpu.memory_space<hbm>>
    tpu.wait_dma2 semaphore(%arg16 : memref<!tpu.dma_semaphore, #tpu.memory_space<semaphore_mem>>) src(%arg10 : memref<16384xf32, #tpu.memory_space<vmem>>) dst(%dma_wait3A_270 : memref<16384xf32, #tpu.memory_space<hbm>>)
    return
  }
}

module attributes {stable_mosaic.version = 14 : i64} {
  func.func @_norm_body(%arg0: memref<32x100000xf32, #tpu.memory_space<vmem>>, %arg1: memref<1x32xf32, #tpu.memory_space<vmem>>, %arg2: memref<100000x32xf32, #tpu.memory_space<vmem>>) attributes {dimension_semantics = [], scalar_prefetch = 0 : i64, scratch_operands = 0 : i64, tpu.core_type = #tpu.core_type<tc>} {
    %get3A = arith.constant 0 : index
    %get3A_0 = arith.constant 0 : index
    %get3A_1 = vector.load %arg0[%get3A, %get3A_0] : memref<32x100000xf32, #tpu.memory_space<vmem>>, vector<32x100000xf32>
    %mul3A = arith.mulf %get3A_1, %get3A_1 : vector<32x100000xf32>
    %reduce_sum3A = arith.constant dense<0.000000e+00> : vector<100000xf32>
    %reduce_sum3A_2 = vector.multi_reduction <add>, %mul3A, %reduce_sum3A [0] : vector<32x100000xf32> to vector<100000xf32>
    %broadcast_in_dim3A = vector.shape_cast %reduce_sum3A_2 : vector<100000xf32> to vector<1x100000xf32>
    %div3A = arith.constant 3.200000e+01 : f32
    %div3A_3 = vector.broadcast %div3A : f32 to vector<1x100000xf32>
    %div3A_4 = arith.divf %broadcast_in_dim3A, %div3A_3 : vector<1x100000xf32>
    %add3A = arith.constant 1.1920929E-7 : f32
    %add3A_5 = vector.broadcast %add3A : f32 to vector<1x100000xf32>
    %add3A_6 = arith.addf %div3A_4, %add3A_5 : vector<1x100000xf32>
    %rsqrt3A = math.rsqrt %add3A_6 : vector<1x100000xf32>
    %mul3A_7 = vector.broadcast %rsqrt3A : vector<1x100000xf32> to vector<32x100000xf32>
    %mul3A_8 = arith.mulf %get3A_1, %mul3A_7 : vector<32x100000xf32>
    %transpose3A = tpu.transpose %mul3A_8, [1, 0] : vector<32x100000xf32> -> vector<100000x32xf32>
    %get3A_9 = arith.constant 0 : index
    %get3A_10 = arith.constant 0 : index
    %get3A_11 = vector.load %arg1[%get3A_9, %get3A_10] : memref<1x32xf32, #tpu.memory_space<vmem>>, vector<1x32xf32>
    %mul3A_12 = vector.broadcast %get3A_11 : vector<1x32xf32> to vector<100000x32xf32>
    %mul3A_13 = arith.mulf %transpose3A, %mul3A_12 : vector<100000x32xf32>
    %swap3A = arith.constant 0 : index
    %swap3A_14 = arith.constant 0 : index
    %swap3A_15 = vector.load %arg2[%swap3A, %swap3A_14] : memref<100000x32xf32, #tpu.memory_space<vmem>>, vector<100000x32xf32>
    tpu.vector_store %arg2[%swap3A, %swap3A_14], %mul3A_13 {strides = array<i32>} : memref<100000x32xf32, #tpu.memory_space<vmem>>, vector<100000x32xf32>,
    return
  }
}

</mosaic_0001>

<sc_bundles>
// kernel: kernel.4.cloned.1.call-start
scs
__scs_entry_jumppad:
0x0: {  	(pc) =	sbr.rel $0x88, $3  }
0x1: {  	(tag) =	ssettag $0x0;
	lr =	simm.s32 $0x1  }
0x2: {  	[smem:$0x3F9E] =	sst lr;
	_ =	strace $0xD0000000  }
0x3: {  	_ = 	snop  }
0x4: {  	_ = 	snop  }
0x5: {  	_ = 	snop  }
0x6: {  	_ = 	snop  }
0x7: {  	_ = 	snop  }
__scs_overlays_trampoline_lowered:
0x8: {  	[smem:$0x3FAD] =	sst s0  }
0x9: {  	[smem:$0x3FAE] =	sst s1  }
0xa: {  	[smem:$0x3FAF] =	sst s2  }
0xb: {  	[smem:$0x3FB0] =	sst s3  }
0xc: {  	[smem:$0x3FB1] =	sst s4  }
0xd: {  	[smem:$0x3FB2] =	sst s5  }
0xe: {  	[smem:$0x3FB3] =	sst s6  }
0xf: {  	[smem:$0x3FB4] =	sst s7  }
0x10: {  	[smem:$0x3FB5] =	sst s8  }
0x11: {  	[smem:$0x3FB6] =	sst s9;
	s0 =	simm.s32 @!p0 $0x0  }
0x12: {  	s1 =	sld [smem:$0x3F9C];
	s0 =	simm.s32 @p0 $0x1  }
0x13: {  	[smem:$0x3FB7] =	sst s0;
	s0 =	simm.s32 @!p1 $0x0  }
0x14: {  	s2 =	sld [smem:$0x3F9B];
	s0 =	simm.s32 @p1 $0x1  }
0x15: {  	[smem:$0x3FB8] =	sst s0;
	s0 =	simm.s32 @!p2 $0x0  }
0x16: {  	s3 =	sld [smem:$0x3FDB];
	s0 =	simm.s32 @p2 $0x1  }
0x17: {  	s4 =	simm.s32 $0x1BF5;
	[smem:$0x3FBA] =	sst s0  }
0x18: {  	s0 =	sld [smem:$0x3F9D];
	_ =	swait.ge [sflag:s4], $0x0  }
0x19: {  	s7 =	sld [smem:$0x3F9E]  }
0x1a: {  	s8 =	sadd.s32 $0xFFFFE003, lr  }
0x1b: {  	s9 =	sadd.s32 $0xFFFFFEF7, lr;
	s5 =	simm.s32 $0xFFFFFFFF;
	p2 =	slt.u32 s8, $0xFFFFF086  }
0x1c: {  	p1 =	slt.u32 s9, $0xF7A;
	s5 =	simm.s32 @!p2 $0x0  }
0x1d: {  	s5 =	simm.s32 @p1 $0x1;
	p0 =	seq.s32 s7, s2  }
0x1e: {  	s7 =	smul.u32 @!p0 $0xF7A, s2;
	p2 =	seq.s32 @!p0 s5, $0x0  }
0x1f: {  	s9 =	smul.u32 $0xF7A, s1;
	s8 =	simm.s32 @!p0 $0x1BF5;
	p2 =	por !p2, p0  }
0x20: {  	[sflag:s8] =	ssyncset.s32 @!p0 $0xFFFFF086;
	s6 =	sadd.s32 @!p0 s3, s7;
	s7 =	simm.s32 @!p0 $0x108  }
0x21: {  	s3 =	sadd.s32 s3, s9;
	s6 =	sadd.s32 @!p0 $0x88, s6;
	s7 =	simm.s32 @p2 $0x1082  }
0x22: {  	[simem:s7], [sflag:s8] =	dma.local @!p0 [hbm:s6], $0xF7A  }
0x23: {  	s9 =	sor.u32 $0xD0000000, s2;
	s6 =	simm.s32 $0x108;
	_ =	swait.ge @!p0 [sflag:s8], $0x0  }
0x24: {  	s3 =	sadd.s32 $0x88, s3;
	s6 =	simm.s32 @!p1 $0x1082;
	[sflag:s4] =	ssyncset.s32 $0xFFFFF086  }
0x25: {  	[simem:s6], [sflag:s4] =	dma.local [hbm:s3], $0xF7A  }
0x26: {  	[smem:$0x3F9E] =	sst s1;
	(tag) =	ssettag s2;
	_ =	strace s9  }
0x27: {  	s1 =	sld [smem:$0x3FAE]  }
0x28: {  	s2 =	sld [smem:$0x3FAF]  }
0x29: {  	s4 =	sld [smem:$0x3FB1]  }
0x2a: {  	p0 =	seq.s32 s5, $0x0;
	s5 =	sld [smem:$0x3FB2]  }
0x2b: {  	s6 =	sld [smem:$0x3FB3]  }
0x2c: {  	s7 =	sld [smem:$0x3FB4]  }
0x2d: {  	s3 =	simm.s32 $0x108;
	s8 =	sld [smem:$0x3FB5]  }
0x2e: {  	s3 =	simm.s32 @!p0 $0x1082;
	s9 =	sld [smem:$0x3FB6]  }
0x2f: {  	lr =	sadd.s32 s0, s3;
	s0 =	sld [smem:$0x3FAD]  }
0x30: {  	s3 =	sld [smem:$0x3FB0]  }
0x31: {  	[smem:$0x3FB9] =	sst s10  }
0x32: {  	s10 =	sld [smem:$0x3FB7];
	_ =	sdelay $0x3  }
0x33: {  	p0 =	seq.s32 s10, $0x1;
	s10 =	sld [smem:$0x3FB9];
	_ =	sdelay $0x3  }
0x34: {  	[smem:$0x3FB9] =	sst s10  }
0x35: {  	s10 =	sld [smem:$0x3FB8];
	_ =	sdelay $0x3  }
0x36: {  	p1 =	seq.s32 s10, $0x1;
	s10 =	sld [smem:$0x3FB9];
	_ =	sdelay $0x3  }
0x37: {  	[smem:$0x3FB9] =	sst s10  }
0x38: {  	s10 =	sld [smem:$0x3FBA]  }
0x39: {  	_ = 	snop;
	(pc) =	sbr.ind lr, $3  }
0x3a: {  	_ = 	snop  }
0x3b: {  	_ = 	snop  }
0x3c: {  	p2 =	seq.s32 s10, $0x1;
	s10 =	sld [smem:$0x3FB9]  }
0x3d: {  	_ =	shalt  }
0x3e: {  	_ =	shalt  }
0x3f: {  	_ =	shalt  }
0x40: {  	_ =	shalt  }
0x41: {  	_ =	shalt  }
0x42: {  	_ =	shalt  }
0x43: {  	_ =	shalt  }
0x44: {  	_ =	shalt  }
0x45: {  	_ =	shalt  }
0x46: {  	_ =	shalt  }
0x47: {  	_ =	shalt  }
0x48: {  	_ =	shalt  }
0x49: {  	_ =	shalt  }
0x4a: {  	_ =	shalt  }
0x4b: {  	_ =	shalt  }
0x4c: {  	_ =	shalt  }
0x4d: {  	_ =	shalt  }
0x4e: {  	_ =	shalt  }
0x4f: {  	_ =	shalt  }
0x50: {  	_ =	shalt  }
0x51: {  	_ =	shalt  }
0x52: {  	_ =	shalt  }
0x53: {  	_ =	shalt  }
0x54: {  	_ =	shalt  }
0x55: {  	_ =	shalt  }
0x56: {  	_ =	shalt  }
0x57: {  	_ =	shalt  }
0x58: {  	_ =	shalt  }
0x59: {  	_ =	shalt  }
0x5a: {  	_ =	shalt  }
0x5b: {  	_ =	shalt  }
0x5c: {  	_ =	shalt  }
0x5d: {  	_ =	shalt  }
0x5e: {  	_ =	shalt  }
0x5f: {  	_ =	shalt  }
0x60: {  	_ =	shalt  }
0x61: {  	_ =	shalt  }
0x62: {  	_ =	shalt  }
0x63: {  	_ =	shalt  }
0x64: {  	_ =	shalt  }
0x65: {  	_ =	shalt  }
0x66: {  	_ =	shalt  }
0x67: {  	_ =	shalt  }
0x68: {  	_ =	shalt  }
0x69: {  	_ =	shalt  }
0x6a: {  	_ =	shalt  }
0x6b: {  	_ =	shalt  }
0x6c: {  	_ =	shalt  }
0x6d: {  	_ =	shalt  }
0x6e: {  	_ =	shalt  }
0x6f: {  	_ =	shalt  }
0x70: {  	_ =	shalt  }
0x71: {  	_ =	shalt  }
0x72: {  	_ =	shalt  }
0x73: {  	_ =	shalt  }
0x74: {  	_ =	shalt  }
0x75: {  	_ =	shalt  }
0x76: {  	_ =	shalt  }
0x77: {  	_ =	shalt  }
0x78: {  	_ =	shalt  }
0x79: {  	_ =	shalt  }
0x7a: {  	_ =	shalt  }
0x7b: {  	_ =	shalt  }
0x7c: {  	_ =	shalt  }
0x7d: {  	_ =	shalt  }
0x7e: {  	_ =	shalt  }
0x7f: {  	_ =	shalt  }
0x80: {  	_ =	shalt  }
0x81: {  	_ =	shalt  }
0x82: {  	_ =	shalt  }
0x83: {  	_ =	shalt  }
0x84: {  	_ =	shalt  }
0x85: {  	_ =	shalt  }
0x86: {  	_ =	shalt  }
0x87: {  	_ =	shalt  }
.Lfunc_end0:
.L_simem_size_0:
called_computation_lowered:
.L_overlay_start_0:
0x88: {  	s2 =	sld [smem:$0x3FD9]  }
0x89: {  	s3 =	sld [smem:$0x3FFE];
	_ =	sdelay $0x1  }
0x8a: {  	s1 =	srdreg.scid  }
0x8b: {  	s0 =	sand.u32 $0x1, s1  }
0x8c: {  	s17 =	sshll.u32 s0, $0xA;
	s2 =	sadd.s32 s3, s2  }
0x8d: {  	s2 =	sadd.s32 s2, s17  }
0x8e: {  	[smem:$0x3FC5] =	sst s2  }
0x8f: {  	_ = 	snop  }
0x90: {  	s2 =	sld [smem:$0x3FD0];
	(tm) =	ssettm $0x1  }
0x91: {  	s18 =	sld [smem:$0x3FFB];
	_ =	sdelay $0x3  }
0x92: {  	_ =	strace s18  }
0x93: {  	s3 =	sld [smem:$0x3FFC];
	_ =	sdelay $0x3  }
0x94: {  	_ =	strace s3  }
0x95: {  	s3 =	sld [smem:$0x3FFD];
	_ =	sdelay $0x3  }
0x96: {  	_ =	strace s3  }
0x97: {  	_ =	strace $0x8FFFFFFF  }
0x98: {  	s19 =	sld [smem:$0x3FDB];
	_ =	sdelay $0x1  }
0x99: {  	s4 =	simm.s32 $_scs_section_size  }
0x9a: {  	s5 =	simm.s32 $_size__tile_overlayer_lowered;
	s6 =	simm.s32 $_tile_overlayer_lowered  }
0x9b: {  	s22 =	simm.s32 $0x1BFF;
	s21 =	sshll.u32 s6, $0x1;
	s3 =	sadd.s32 s4, s19  }
0x9c: {  	s7 =	simm.s32 $0x0;
	s20 =	sshll.u32 s5, $0x1;
	s5 =	sadd.s32 s21, s3  }
0x9d: {  	[timem:s7], [sflag:s22] =	dma.local [hbm:s5], s20  }
0x9e: {  	_ =	swait.ge [sflag:s22], s20  }
0x9f: {  	s4 =	ssub.s32 $0x0, s20;
	[sflag:s22] =	ssyncset.done $0x0  }
0xa0: {  	[sflag:s22] =	ssyncadd.s32 s4;
	_ =	sdelay $0x1  }
0xa1: {  	s23 =	simm.s32 $0x1B8B  }
0xa2: {  	_ =	swait.ge [sflag:s23], $0x1  }
0xa3: {  	[sflag:s23] =	ssyncset.done $0x0  }
0xa4: {  	s25 =	simm.s32 $0x1B8E;
	s24 =	sld [smem:$0x3FFE];
	[sflag:s23] =	ssyncadd.s32 $0xFFFFFFFF  }
0xa5: {  	s26 =	simm.s32 $execute0_lowered;
	[smem:$0x3FD2] =	sst s25  }
0xa6: {  	s5 =	sshll.u32 s26, $0x1;
	_ =	strace $0x80000046;
	[dreg:$0x1] =	wrdreg $0xFFFFFFFF  }
0xa7: {  	s28 =	simm.s32 $_size_execute0_lowered;
	s3 =	sadd.s32 s3, s5;
	[dreg:$0x0] =	wrdreg $0x0  }
0xa8: {  	s5 =	sshll.u32 s28, $0x1;
	[dreg:$0x2] =	wrdreg s3  }
0xa9: {  	[dreg:$0x3] =	wrdreg s5  }
0xaa: {  	[dreg:$0x4] =	wrdreg $0xC0  }
0xab: {  	_ =	task [dreg:s7], $0x5FFFF  }
0xac: {  	[dreg:$0x1] =	wrdreg $0xFFFFFFFF  }
0xad: {  	[dreg:$0x0] =	wrdreg $0x60  }
0xae: {  	[dreg:$0x2] =	wrdreg s24  }
0xaf: {  	[dreg:$0x3] =	wrdreg s2  }
0xb0: {  	[dreg:$0x4] =	wrdreg $0x9  }
0xb1: {  	_ =	task.clear_ibuf [dreg:s7], $0x5FFFF;
	_ =	strace $0x90000046  }
0xb2: {  	s29 =	simm.s32 $0x9;
	_ =	strace $0x80000048  }
0xb3: {  	_ =	swait.ge [sflag:s29], $0x1  }
0xb4: {  	[sflag:s29] =	ssyncadd.s32 $0xFFFFFFFF  }
0xb5: {  	_ =	strace $0x90000048  }
0xb6: {  	_ =	sfence  }
0xb7: {  	s30 =	sld [smem:$0x0];
	_ =	sdelay $0x2  }
0xb8: {  	s31 =	sshll.u32 s1, $0xD;
	s1 =	sshrl.u32 s1, $0x2  }
0xb9: {  	s3 =	sand.u32 $0x4000, s31;
	s1 =	sadd.s32 s1, s30  }
0xba: {  	s0 =	sor.u32 s3, s0;
	s1 =	sshll.u32 s1, $0x11  }
0xbb: {  	s0 =	sor.u32 s1, s0  }
0xbc: {  	s0 =	sadd.s32 $0x8F2B, s0  }
0xbd: {  	[sflag:s0] =	ssyncadd.remote.s32 $0x1  }
0xbe: {  	_ =	sfence.sel $0xFFFF  }
0xbf: {  	[dreg:$0x0] =	wrdreg $0xFFFFFFFF;
	(pc) =	sbr.abs _section_cstart, $3  }
0xc0: {  	[dreg:$0x1] =	wrdreg $0xFFFFFFFF  }
0xc1: {  	_ =	task.clear_ibuf [dreg:s7], $0x2FFFF;
	_ =	strace $0x9FFFFFFF  }
0xc2: {  	(tm) =	ssettm $0x7FFFFFFF  }
0xc3: {  	_ =	shalt  }
tec
execute0_lowered:
.L_overlay_start_1:
0x0: {  	(tag) =	ssettag $0x1  }
0x1: {  	s0 =	rddreg [dreg:$0x0]  }
0x2: {  	s10 =	rddreg [dreg:$0x1]  }
0x3: {  	s3 =	simm.s32 $0x0;
	s1 =	srdreg.scid;
	s2 =	stileid.u32  }
0x4: {  	s28 =	simm.s32 $0x80;
	s29 =	simm.s32 $0x400;
	[smem:$0x7FF] =	sst s3  }
0x5: {  	s1 =	sand.u32 $0x1, s1;
	s5 =	sshll.u32 s2, $0x1;
	s4 =	sadd.s32 $0x64400, s0  }
0x6: {  	s15 =	sadd.s32 $0xC000, s10;
	_ =	strace $0x80000047;
	s6 =	sor.u32 s1, s5  }
0x7: {  	s5 =	sadd.s32 $0x400, s0;
	s11 =	ssub.s32 $0x2, s1;
	s12 =	smul.u32 $0x320000, s6  }
0x8: {  	s7 =	sshrl.u32 s11, $0x1;
	s8 =	smul.u32 $0x3200, s6;
	s9 =	sshll.u32 s6, $0xF  }
0x9: {  	s14 =	smul.u32 $0x320, s6;
	s0 =	ssub.s32 s11, s7;
	s13 =	sand.u32 $0x18000, s9  }
0xa: {  	s11 =	sadd.s32 $0x4000, s10;
	s9 =	simm.s32 $0x2;
	s1 =	sand.u32 $0x7F80000, s12  }
0xb: {  	s16 =	sadd.s32 s5, s8;
	s12 =	sadd.s32 $0x8000, s10;
	[dreg:$0x3] =	wrdreg s14  }
0xc: {  	s21 =	sadd.s32 $0x31C, s14;
	s24 =	sor.u32 $0xC, s14;
	[dreg:$0x4] =	wrdreg s16  }
0xd: {  	s25 =	sor.u32 $0x10, s14;
	s2 =	sor.u32 $0x8, s14;
	[dreg:$0xb] =	wrdreg s24  }
0xe: {  	s0 =	smax.u32 s0, $0x1;
	s1 =	sor.u32 s13, s1;
	[dreg:$0xc] =	wrdreg s25  }
0xf: {  	s17 =	sadd.s32 $0x40, s16;
	s6 =	sadd.s32 $0x80, s16;
	[dreg:$0xd] =	wrdreg s2  }
0x10: {  	s22 =	sshll.u32 s21, $0x9;
	s7 =	sshll.u32 s21, $0x7;
	[dreg:$0x12] =	wrdreg s0  }
0x11: {  	s24 =	simm.s32 $0x8400;
	[dreg:$0x5] =	wrdreg s17;
	s1 =	sshrl.u32 s1, $0x3  }
0x12: {  	[dreg:$0x6] =	wrdreg s6;
	s23 =	sand.u32 $0x1FF0000, s22;
	s18 =	sadd.s32 s10, s1  }
0x13: {  	s7 =	sand.u32 $0x3E00, s7;
	s19 =	sadd.s32 s1, s11;
	[dreg:$0x7] =	wrdreg s18  }
0x14: {  	s20 =	sadd.s32 s1, s12;
	s1 =	sadd.s32 s1, s15;
	[dreg:$0x8] =	wrdreg s19  }
0x15: {  	s0 =	simm.s32 $0x4;
	[dreg:$0xa] =	wrdreg s1;
	s1 =	sor.u32 s7, s23  }
0x16: {  	s16 =	simm.s32 $0x5;
	[dreg:$0x9] =	wrdreg s20;
	s26 =	sadd.s32 s10, s1  }
0x17: {  	s6 =	simm.s32 $0x0;
	s30 =	sadd.s32 s1, s11;
	[dreg:$0xe] =	wrdreg s26  }
0x18: {  	v0 =	vlaneseq.u32;
	s23 =	simm.s32 $0x3;
	s31 =	sadd.s32 s1, s12;
	[dreg:$0xf] =	wrdreg s30  }
0x19: {  	v1 =	vshrl.u32 v0, $0x3;
	s1 =	sadd.s32 s1, s15;
	s10 =	simm.s32 $0x4400;
	[dreg:$0x10] =	wrdreg s31  }
0x1a: {  	v2 =	vand.u32 $0x7, v0;
	v3 =	vmul.u32 $0x20, v0;
	v1 =	vmul.u32 $0x8, v1;
	[dreg:$0x11] =	wrdreg s1;
	s26 =	simm.s32 $0x1;
	s1 =	simm.s32 $0xC400  }
.LBB2_1:
0x1b: {  	[dreg:$0x13] =	wrdreg s6  }
0x1c: {  	s2 =	rddreg [dreg:$0x4]  }
0x1d: {  	[tilespmem:s3], [sflag:$0x1] =	stream.linear.gather [hbm4b:s2+s3], $0x200, $0x38;
	[tilespmem:$0x10400] =	vst v63  }
0x1e: {  	s8 =	rddreg [dreg:$0x5];
	s13 =	simm.s32 $0x200  }
0x1f: {  	[tilespmem:s13], [sflag:$0x2] =	stream.linear.gather [hbm4b:s8+s3], $0x200, $0x38;
	[tilespmem:$0x10400] =	vst v63  }
0x20: {  	_ =	swait.ge [sflag:s26], $0x200  }
0x21: {  	[sflag:s26] =	ssyncset.done $0x0  }
0x22: {  	[sflag:s26] =	ssyncadd.s32 $0xFFFFFE00  }
0x23: {  	[tilespmem:s29], [sflag:$0x3] =	stream.indirect.gather [hbm4b:s4+s28], $0x20, s3, s28, $0xb8;
	[tilespmem:$0x10400] =	vst v63  }
0x24: {  	s14 =	simm.s32 $0x1400  }
0x25: {  	[tilespmem:s14], [sflag:$0x3] =	stream.indirect.gather [hbm4b:s4+s28], $0x20, s28, s28, $0xb8;
	[tilespmem:$0x10400] =	vst v63  }
0x26: {  	s17 =	simm.s32 $0x100;
	s7 =	simm.s32 $0x2400  }
0x27: {  	[tilespmem:s7], [sflag:$0x3] =	stream.indirect.gather [hbm4b:s4+s28], $0x20, s17, s28, $0xb8;
	[tilespmem:$0x10400] =	vst v63  }
0x28: {  	s18 =	simm.s32 $0x180;
	s19 =	simm.s32 $0x3400  }
0x29: {  	[tilespmem:s19], [sflag:$0x3] =	stream.indirect.gather [hbm4b:s4+s28], $0x20, s18, s28, $0xb8;
	[tilespmem:$0x10400] =	vst v63  }
0x2a: {  	_ =	swait.ge [sflag:s9], $0x200  }
0x2b: {  	[sflag:s9] =	ssyncset.done $0x0  }
0x2c: {  	[sflag:s9] =	ssyncadd.s32 $0xFFFFFE00  }
0x2d: {  	[tilespmem:s10], [sflag:$0x4] =	stream.indirect.gather [hbm4b:s4+s28], $0x20, s13, s28, $0xb8;
	[tilespmem:$0x10400] =	vst v63  }
0x2e: {  	s20 =	simm.s32 $0x280;
	s21 =	simm.s32 $0x5400  }
0x2f: {  	[tilespmem:s21], [sflag:$0x4] =	stream.indirect.gather [hbm4b:s4+s28], $0x20, s20, s28, $0xb8;
	[tilespmem:$0x10400] =	vst v63  }
0x30: {  	s22 =	simm.s32 $0x300;
	s25 =	simm.s32 $0x6400  }
0x31: {  	[tilespmem:s25], [sflag:$0x4] =	stream.indirect.gather [hbm4b:s4+s28], $0x20, s22, s28, $0xb8;
	[tilespmem:$0x10400] =	vst v63  }
0x32: {  	s30 =	simm.s32 $0x380;
	s31 =	simm.s32 $0x7400  }
0x33: {  	[tilespmem:s31], [sflag:$0x4] =	stream.indirect.gather [hbm4b:s4+s28], $0x20, s30, s28, $0xb8;
	[tilespmem:$0x10400] =	vst v63  }
0x34: {  	_ =	swait.ge [sflag:s23], $0x4000  }
0x35: {  	[sflag:s23] =	ssyncset.done $0x0  }
0x36: {  	s20 =	simm.s32 $0x0;
	[sflag:s23] =	ssyncadd.s32 $0xFFFFC000  }
.LBB2_2:
0x37: {  	v4 =	vadd.s32 s20, v0  }
0x38: {  	v5 =	vand.u32 $0x1F, v4  }
0x39: {  	s7 =	simm.s32 $0xC00;
	v5 =	vor.u32 v3, v5  }
0x3a: {  	s8 =	simm.s32 $0xE00;
	v6 =	vor.u32 s7, v5  }
0x3b: {  	s17 =	simm.s32 $0xA00;
	v7 =	vshll.u32 v4, $0x9;
	v4 =	vshll.u32 v4, $0x7;
	v8 =	vor.u32 s8, v5  }
0x3c: {  	s18 =	simm.s32 $0x800;
	v7 =	vand.u32 $0x3000, v7;
	v4 =	vand.u32 $0x380, v4;
	v10 =	vor.u32 s17, v5  }
0x3d: {  	s19 =	simm.s32 $0x600;
	v4 =	vor.u32 v7, v4;
	v7 =	vor.u32 s18, v5  }
0x3e: {  	s21 =	simm.s32 $0x70;
	s22 =	simm.s32 $0x200;
	v20 =	vor.u32 s19, v5;
	v4 =	vor.u32 v2, v4  }
0x3f: {  	s13 =	simm.s32 $0x400;
	s31 =	simm.s32 $0x60;
	s6 =	simm.s32 $0x1C00;
	v25 =	vor.u32 s22, v5;
	v4 =	vor.u32 v1, v4;
	v15 =	vld.idx.msk [tilespmem:v6+s29+$0x0], $0xffff  }
0x40: {  	s25 =	simm.s32 $0x0;
	s14 =	simm.s32 $0x50;
	s30 =	simm.s32 $0x1A00;
	v9 =	vor.u32 s13, v5;
	v23 =	vor.u32 s6, v5;
	v17 =	vor.u32 s31, v4;
	v11 =	vld.idx.msk [tilespmem:v8+s29+$0x0], $0xffff  }
0x41: {  	s2 =	simm.s32 $0x30;
	s22 =	simm.s32 $0x1E00;
	s18 =	simm.s32 $0x1800;
	v18 =	vor.u32 s30, v5;
	v21 =	vor.u32 s14, v4;
	v6 =	vor.u32 s25, v5;
	v19 =	vld.idx.msk [tilespmem:v10+s29+$0x0], $0xffff  }
0x42: {  	s7 =	simm.s32 $0x8;
	s17 =	simm.s32 $0x1600;
	s19 =	simm.s32 $0x1000;
	v16 =	vor.u32 s22, v5;
	v12 =	vor.u32 s18, v5;
	v13 =	vor.u32 s21, v4;
	v14 =	vld.idx.msk [tilespmem:v7+s29+$0x0], $0xffff  }
0x43: {  	v22 =	vor.u32 s19, v5;
	s31 =	simm.s32 $0x40;
	v8 =	vor.u32 s2, v4;
	v7 =	vor.u32 s17, v5;
	s25 =	simm.s32 $0x1200;
	s2 =	simm.s32 $0x1400;
	v24 =	vld.idx.msk [tilespmem:v20+s29+$0x0], $0xffff  }
0x44: {  	s30 =	simm.s32 $0x0;
	s8 =	simm.s32 $0x20;
	s13 =	simm.s32 $0x10;
	v20 =	vld.idx.msk [tilespmem:v25+s29+$0x0], $0xffff;
	v25 =	vor.u32 s31, v4;
	v10 =	vor.u32 s25, v5;
	v26 =	vor.u32 s2, v5  }
.LBB2_3:
0x45: {  	s7 =	sadd.s32 $0x8, s7;
	v27 =	vor.u32 s13, v4;
	v28 =	vld.idx.msk [tilespmem:v9+s29+$0x0], $0xffff;
	[tilespmem:v17+s24+$0x0] =	vst.idx.msk $0xffff, v15;
	s21 =	sadd.s32 $0x400, s21;
	v9 =	vmov v26  }
0x46: {  	p0 =	slt.u32 s7, $0x18;
	s2 =	sadd.s32 $0xFFFFFF90, s21;
	s13 =	sadd.s32 $0xFFFFFFB0, s21;
	v29 =	vld.idx.msk [tilespmem:v6+s29+$0x0], $0xffff;
	[tilespmem:v21+s24+$0x0] =	vst.idx.msk $0xffff, v19;
	v6 =	vmov v22  }
0x47: {  	v30 =	vor.u32 s30, v4;
	v31 =	vor.u32 s8, v4;
	s14 =	sadd.s32 $0xFFFFFFF0, s21;
	v15 =	vld.idx.msk [tilespmem:v23+s29+$0x0], $0xffff;
	[tilespmem:v13+s24+$0x0] =	vst.idx.msk $0xffff, v11;
	s30 =	smov.u32 s2;
	s8 =	smov.u32 s13  }
0x48: {  	s22 =	sadd.s32 $0x1000, s22;
	s2 =	sadd.s32 $0xFFFFFFC0, s21;
	s13 =	sadd.s32 $0xFFFFFFE0, s21;
	v17 =	vor.u32 s14, v4;
	v13 =	vor.u32 s21, v4;
	v11 =	vld.idx.msk [tilespmem:v16+s29+$0x0], $0xffff;
	[tilespmem:v8+s24+$0x0] =	vst.idx.msk $0xffff, v24  }
.Ltmp0:
0x49: {  	s14 =	sadd.s32 $0xFFFFFE00, s22;
	v8 =	vor.u32 s2, v4;
	s2 =	sadd.s32 $0xFFFFFFD0, s21;
	v21 =	vor.u32 s13, v4;
	v19 =	vld.idx.msk [tilespmem:v18+s29+$0x0], $0xffff;
	[tilespmem:v25+s24+$0x0] =	vst.idx.msk $0xffff, v14;
	(pc) =	sbr.rel @p0 .LBB2_3-.Ltmp0, $4  }
0x4a: {  	s31 =	sadd.s32 $0xFFFFFA00, s22;
	s6 =	sadd.s32 $0xFFFFFC00, s22;
	s13 =	sadd.s32 $0xFFFFF800, s22;
	v23 =	vor.u32 s14, v5;
	v16 =	vor.u32 s22, v5;
	v14 =	vld.idx.msk [tilespmem:v12+s29+$0x0], $0xffff;
	[tilespmem:v27+s24+$0x0] =	vst.idx.msk $0xffff, v20  }
0x4b: {  	s17 =	sadd.s32 $0xFFFFF400, s22;
	s18 =	sadd.s32 $0xFFFFF600, s22;
	s14 =	sadd.s32 $0xFFFFF200, s22;
	v18 =	vor.u32 s6, v5;
	v12 =	vor.u32 s31, v5;
	v24 =	vld.idx.msk [tilespmem:v7+s29+$0x0], $0xffff;
	v7 =	vor.u32 s13, v5  }
0x4c: {  	v26 =	vor.u32 s18, v5;
	v22 =	vor.u32 s14, v5;
	v27 =	vor.u32 s17, v5;
	[tilespmem:v31+s24+$0x0] =	vst.idx.msk $0xffff, v28  }
0x4d: {  	v25 =	vor.u32 s2, v4;
	s13 =	sadd.s32 $0xFFFFFFA0, s21;
	v20 =	vld.idx.msk [tilespmem:v10+s29+$0x0], $0xffff;
	[tilespmem:v30+s24+$0x0] =	vst.idx.msk $0xffff, v29;
	v10 =	vmov v27  }
0x4e: {  	_ =	sdelay $0x3  }
0x4f: {  	v5 =	vor.u32 s13, v4;
	[tilespmem:v17+s24+$0x0] =	vst.idx.msk $0xffff, v15  }
0x50: {  	v9 =	vld.idx.msk [tilespmem:v9+s29+$0x0], $0xffff;
	[tilespmem:v21+s24+$0x0] =	vst.idx.msk $0xffff, v19;
	v49 =	vor.u32 s8, v4  }
0x51: {  	s2 =	sadd.s32 $0x400, s21;
	v6 =	vld.idx.msk [tilespmem:v6+s29+$0x0], $0xffff;
	v50 =	vor.u32 s30, v4;
	[tilespmem:v13+s24+$0x0] =	vst.idx.msk $0xffff, v11  }
0x52: {  	v55 =	vld.idx.msk [tilespmem:v16+s29+$0x0], $0xffff;
	s6 =	sadd.s32 $0xFFFFFFF0, s2;
	[tilespmem:v25+s24+$0x0] =	vst.idx.msk $0xffff, v14;
	v56 =	vor.u32 s2, v4  }
0x53: {  	v51 =	vld.idx.msk [tilespmem:v23+s29+$0x0], $0xffff;
	s7 =	sadd.s32 $0xFFFFFFE0, s2;
	v52 =	vor.u32 s6, v4;
	[tilespmem:v8+s24+$0x0] =	vst.idx.msk $0xffff, v24  }
0x54: {  	v53 =	vld.idx.msk [tilespmem:v18+s29+$0x0], $0xffff;
	s25 =	sadd.s32 $0xFFFFFFD0, s2;
	v54 =	vor.u32 s7, v4;
	[tilespmem:v5+s24+$0x0] =	vst.idx.msk $0xffff, v20  }
0x55: {  	v57 =	vld.idx.msk [tilespmem:v12+s29+$0x0], $0xffff;
	s30 =	sadd.s32 $0xFFFFFFA0, s2;
	v58 =	vor.u32 s25, v4;
	[tilespmem:v49+s24+$0x0] =	vst.idx.msk $0xffff, v9  }
0x56: {  	v59 =	vld.idx.msk [tilespmem:v10+s29+$0x0], $0xffff;
	s31 =	sadd.s32 $0xFFFFFFB0, s2;
	v60 =	vor.u32 s30, v4;
	[tilespmem:v50+s24+$0x0] =	vst.idx.msk $0xffff, v6  }
0x57: {  	v61 =	vld.idx.msk [tilespmem:v26+s29+$0x0], $0xffff;
	s22 =	sadd.s32 $0xFFFFFFC0, s2;
	v62 =	vor.u32 s31, v4;
	[tilespmem:v56+s24+$0x0] =	vst.idx.msk $0xffff, v55  }
0x58: {  	v7 =	vld.idx.msk [tilespmem:v7+s29+$0x0], $0xffff;
	s20 =	sadd.s32 $0x1, s20;
	s2 =	sadd.s32 $0xFFFFFF90, s2;
	v5 =	vor.u32 s22, v4;
	[tilespmem:v52+s24+$0x0] =	vst.idx.msk $0xffff, v51  }
0x59: {  	v63 =	vld.idx.msk [tilespmem:v22+s29+$0x0], $0xffff;
	p0 =	sne.s32 s20, $0x20;
	v4 =	vor.u32 s2, v4;
	[tilespmem:v54+s24+$0x0] =	vst.idx.msk $0xffff, v53  }
.Ltmp1:
0x5a: {  	[tilespmem:v58+s24+$0x0] =	vst.idx.msk $0xffff, v57;
	(pc) =	sbr.rel @p0 .LBB2_2-.Ltmp1, $4  }
0x5b: {  	[tilespmem:v60+s24+$0x0] =	vst.idx.msk $0xffff, v59  }
0x5c: {  	[tilespmem:v62+s24+$0x0] =	vst.idx.msk $0xffff, v61  }
0x5d: {  	[tilespmem:v5+s24+$0x0] =	vst.idx.msk $0xffff, v7  }
0x5e: {  	[tilespmem:v4+s24+$0x0] =	vst.idx.msk $0xffff, v63  }
0x5f: {  	s20 =	simm.s32 $0x0;
	s2 =	rddreg [dreg:$0x6]  }
0x60: {  	[tilespmem:s20], [sflag:$0x1] =	stream.linear.gather [hbm4b:s2+s20], $0x200, $0x38;
	[tilespmem:$0x10400] =	vst v63  }
0x61: {  	s19 =	rddreg [dreg:$0x7]  }
0x62: {  	[hbm4b:s19+s20] =	stream.linear.scatter [tilespmem:s24], [sflag:$0x5], $0x1000, $0x38;
	[tilespmem:$0x10400] =	vst v63  }
0x63: {  	s21 =	rddreg [dreg:$0x8];
	s6 =	simm.s32 $0x9400  }
0x64: {  	[hbm4b:s21+s20] =	stream.linear.scatter [tilespmem:s6], [sflag:$0x5], $0x1000, $0x38;
	[tilespmem:$0x10400] =	vst v63  }
0x65: {  	s22 =	rddreg [dreg:$0x9];
	s25 =	simm.s32 $0xA400  }
0x66: {  	[hbm4b:s22+s20] =	stream.linear.scatter [tilespmem:s25], [sflag:$0x5], $0x1000, $0x38;
	[tilespmem:$0x10400] =	vst v63  }
0x67: {  	s30 =	rddreg [dreg:$0xa];
	s31 =	simm.s32 $0xB400  }
0x68: {  	[hbm4b:s30+s20] =	stream.linear.scatter [tilespmem:s31], [sflag:$0x5], $0x1000, $0x38;
	[tilespmem:$0x10400] =	vst v63  }
.LBB2_6:
0x69: {  	_ =	swait.ge [sflag:s26], $0x200  }
0x6a: {  	[sflag:s26] =	ssyncset.done $0x0  }
0x6b: {  	[sflag:s26] =	ssyncadd.s32 $0xFFFFFE00  }
0x6c: {  	[tilespmem:s29], [sflag:$0x3] =	stream.indirect.gather [hbm4b:s4+s28], $0x20, s3, s28, $0xb8;
	[tilespmem:$0x10400] =	vst v63  }
0x6d: {  	s2 =	simm.s32 $0x1400  }
0x6e: {  	[tilespmem:s2], [sflag:$0x3] =	stream.indirect.gather [hbm4b:s4+s28], $0x20, s28, s28, $0xb8;
	[tilespmem:$0x10400] =	vst v63  }
0x6f: {  	s21 =	simm.s32 $0x100;
	s6 =	simm.s32 $0x2400  }
0x70: {  	[tilespmem:s6], [sflag:$0x3] =	stream.indirect.gather [hbm4b:s4+s28], $0x20, s21, s28, $0xb8;
	[tilespmem:$0x10400] =	vst v63  }
0x71: {  	s30 =	rddreg [dreg:$0xb];
	s21 =	sshll.u32 s20, $0x3  }
0x72: {  	s22 =	simm.s32 $0x180;
	s25 =	simm.s32 $0x3400;
	s2 =	sadd.s32 s21, s30  }
0x73: {  	[tilespmem:s25], [sflag:$0x3] =	stream.indirect.gather [hbm4b:s4+s28], $0x20, s22, s28, $0xb8;
	[tilespmem:$0x10400] =	vst v63  }
0x74: {  	s2 =	sshll.u32 s2, $0x4;
	_ =	swait.ge [sflag:s0], $0x4000  }
0x75: {  	s31 =	simm.s32 $0x200;
	s2 =	sand.u32 $0x1FFFFFC0, s2;
	[sflag:s0] =	ssyncset.done $0x0  }
0x76: {  	p0 =	seq.s32 s20, $0x0;
	s2 =	sadd.s32 s5, s2;
	[sflag:s0] =	ssyncadd.s32 $0xFFFFC000  }
0x77: {  	[tilespmem:s31], [sflag:$0x2] =	stream.linear.gather [hbm4b:s2+s3], $0x200, $0x38;
	[tilespmem:$0x10400] =	vst v63  }
0x78: {  	s2 =	simm.s32 @!p0 $0x6  }
0x79: {  	_ =	swait.ge @!p0 [sflag:s2], $0x4000  }
0x7a: {  	[sflag:s2] =	ssyncset.done @!p0 $0x0  }
0x7b: {  	s22 =	simm.s32 $0x0;
	[sflag:s2] =	ssyncadd.s32 @!p0 $0xFFFFC000  }
.LBB2_7:
0x7c: {  	v4 =	vadd.s32 s22, v0  }
0x7d: {  	v5 =	vand.u32 $0x1F, v4  }
0x7e: {  	s2 =	simm.s32 $0xC00;
	v5 =	vor.u32 v3, v5  }
0x7f: {  	s6 =	simm.s32 $0xE00;
	v6 =	vor.u32 s2, v5  }
0x80: {  	s13 =	simm.s32 $0xA00;
	v7 =	vshll.u32 v4, $0x9;
	v4 =	vshll.u32 v4, $0x7;
	v8 =	vor.u32 s6, v5  }
0x81: {  	s14 =	simm.s32 $0x800;
	v7 =	vand.u32 $0x3000, v7;
	v4 =	vand.u32 $0x380, v4;
	v10 =	vor.u32 s13, v5  }
0x82: {  	s17 =	simm.s32 $0x600;
	v4 =	vor.u32 v7, v4;
	v7 =	vor.u32 s14, v5  }
0x83: {  	s7 =	simm.s32 $0x70;
	s18 =	simm.s32 $0x200;
	v20 =	vor.u32 s17, v5;
	v4 =	vor.u32 v2, v4  }
0x84: {  	s8 =	simm.s32 $0x400;
	s25 =	simm.s32 $0x60;
	s31 =	simm.s32 $0x1E00;
	v25 =	vor.u32 s18, v5;
	v4 =	vor.u32 v1, v4;
	v15 =	vld.idx.msk [tilespmem:v6+s10+$0x0], $0xffff  }
0x85: {  	s19 =	simm.s32 $0x0;
	v9 =	vor.u32 s8, v5;
	s13 =	simm.s32 $0x50;
	s14 =	simm.s32 $0x1C00;
	v16 =	vor.u32 s31, v5;
	v17 =	vor.u32 s25, v4;
	v11 =	vld.idx.msk [tilespmem:v8+s10+$0x0], $0xffff  }
0x86: {  	s30 =	simm.s32 $0x8;
	s18 =	simm.s32 $0x1800;
	v23 =	vor.u32 s14, v5;
	v21 =	vor.u32 s13, v4;
	s13 =	simm.s32 $0x1A00;
	v6 =	vor.u32 s19, v5;
	v19 =	vld.idx.msk [tilespmem:v10+s10+$0x0], $0xffff  }
0x87: {  	s8 =	simm.s32 $0x30;
	s17 =	simm.s32 $0x1600;
	s14 =	simm.s32 $0x1200;
	v12 =	vor.u32 s18, v5;
	v13 =	vor.u32 s7, v4;
	v18 =	vor.u32 s13, v5;
	v14 =	vld.idx.msk [tilespmem:v7+s10+$0x0], $0xffff  }
0x88: {  	s25 =	simm.s32 $0x40;
	v8 =	vor.u32 s8, v4;
	s19 =	simm.s32 $0x1000;
	v7 =	vor.u32 s17, v5;
	s17 =	simm.s32 $0x1400;
	v24 =	vld.idx.msk [tilespmem:v20+s10+$0x0], $0xffff;
	v10 =	vor.u32 s14, v5  }
0x89: {  	s13 =	simm.s32 $0x20;
	s8 =	simm.s32 $0x0;
	s14 =	simm.s32 $0x10;
	v20 =	vld.idx.msk [tilespmem:v25+s10+$0x0], $0xffff;
	v25 =	vor.u32 s25, v4;
	v22 =	vor.u32 s19, v5;
	v26 =	vor.u32 s17, v5  }
.LBB2_8:
0x8a: {  	s30 =	sadd.s32 $0x8, s30;
	v27 =	vor.u32 s14, v4;
	v28 =	vld.idx.msk [tilespmem:v9+s10+$0x0], $0xffff;
	[tilespmem:v17+s1+$0x0] =	vst.idx.msk $0xffff, v15;
	s7 =	sadd.s32 $0x400, s7;
	v9 =	vmov v26  }
0x8b: {  	p0 =	slt.u32 s30, $0x18;
	s2 =	sadd.s32 $0xFFFFFF90, s7;
	s6 =	sadd.s32 $0xFFFFFFB0, s7;
	v29 =	vld.idx.msk [tilespmem:v6+s10+$0x0], $0xffff;
	[tilespmem:v21+s1+$0x0] =	vst.idx.msk $0xffff, v19;
	v6 =	vmov v22  }
0x8c: {  	v30 =	vor.u32 s8, v4;
	v31 =	vor.u32 s13, v4;
	s14 =	sadd.s32 $0xFFFFFFF0, s7;
	v15 =	vld.idx.msk [tilespmem:v23+s10+$0x0], $0xffff;
	[tilespmem:v13+s1+$0x0] =	vst.idx.msk $0xffff, v11;
	s8 =	smov.u32 s2;
	s13 =	smov.u32 s6  }
0x8d: {  	s31 =	sadd.s32 $0x1000, s31;
	s2 =	sadd.s32 $0xFFFFFFC0, s7;
	s6 =	sadd.s32 $0xFFFFFFE0, s7;
	v17 =	vor.u32 s14, v4;
	v13 =	vor.u32 s7, v4;
	v11 =	vld.idx.msk [tilespmem:v16+s10+$0x0], $0xffff;
	[tilespmem:v8+s1+$0x0] =	vst.idx.msk $0xffff, v24  }
.Ltmp2:
0x8e: {  	s14 =	sadd.s32 $0xFFFFFE00, s31;
	v8 =	vor.u32 s2, v4;
	s2 =	sadd.s32 $0xFFFFFFD0, s7;
	v21 =	vor.u32 s6, v4;
	v19 =	vld.idx.msk [tilespmem:v18+s10+$0x0], $0xffff;
	[tilespmem:v25+s1+$0x0] =	vst.idx.msk $0xffff, v14;
	(pc) =	sbr.rel @p0 .LBB2_8-.Ltmp2, $4  }
0x8f: {  	s17 =	sadd.s32 $0xFFFFFA00, s31;
	s18 =	sadd.s32 $0xFFFFFC00, s31;
	s6 =	sadd.s32 $0xFFFFF800, s31;
	v23 =	vor.u32 s14, v5;
	v16 =	vor.u32 s31, v5;
	v14 =	vld.idx.msk [tilespmem:v12+s10+$0x0], $0xffff;
	[tilespmem:v27+s1+$0x0] =	vst.idx.msk $0xffff, v20  }
0x90: {  	s19 =	sadd.s32 $0xFFFFF400, s31;
	s25 =	sadd.s32 $0xFFFFF600, s31;
	s14 =	sadd.s32 $0xFFFFF200, s31;
	v18 =	vor.u32 s18, v5;
	v12 =	vor.u32 s17, v5;
	v24 =	vld.idx.msk [tilespmem:v7+s10+$0x0], $0xffff;
	v7 =	vor.u32 s6, v5  }
0x91: {  	v26 =	vor.u32 s25, v5;
	v22 =	vor.u32 s14, v5;
	v27 =	vor.u32 s19, v5;
	[tilespmem:v31+s1+$0x0] =	vst.idx.msk $0xffff, v28  }
0x92: {  	s14 =	sadd.s32 $0xFFFFFFA0, s7;
	v25 =	vor.u32 s2, v4;
	v20 =	vld.idx.msk [tilespmem:v10+s10+$0x0], $0xffff;
	[tilespmem:v30+s1+$0x0] =	vst.idx.msk $0xffff, v29;
	v10 =	vmov v27  }
0x93: {  	_ =	sdelay $0x3  }
0x94: {  	v5 =	vor.u32 s14, v4;
	[tilespmem:v17+s1+$0x0] =	vst.idx.msk $0xffff, v15  }
0x95: {  	v9 =	vld.idx.msk [tilespmem:v9+s10+$0x0], $0xffff;
	[tilespmem:v21+s1+$0x0] =	vst.idx.msk $0xffff, v19;
	v49 =	vor.u32 s13, v4  }
0x96: {  	s2 =	sadd.s32 $0x400, s7;
	v6 =	vld.idx.msk [tilespmem:v6+s10+$0x0], $0xffff;
	v50 =	vor.u32 s8, v4;
	[tilespmem:v13+s1+$0x0] =	vst.idx.msk $0xffff, v11  }
0x97: {  	v55 =	vld.idx.msk [tilespmem:v16+s10+$0x0], $0xffff;
	s6 =	sadd.s32 $0xFFFFFFF0, s2;
	[tilespmem:v25+s1+$0x0] =	vst.idx.msk $0xffff, v14;
	v56 =	vor.u32 s2, v4  }
0x98: {  	v51 =	vld.idx.msk [tilespmem:v23+s10+$0x0], $0xffff;
	s7 =	sadd.s32 $0xFFFFFFE0, s2;
	v52 =	vor.u32 s6, v4;
	[tilespmem:v8+s1+$0x0] =	vst.idx.msk $0xffff, v24  }
0x99: {  	v53 =	vld.idx.msk [tilespmem:v18+s10+$0x0], $0xffff;
	s25 =	sadd.s32 $0xFFFFFFD0, s2;
	v54 =	vor.u32 s7, v4;
	[tilespmem:v5+s1+$0x0] =	vst.idx.msk $0xffff, v20  }
0x9a: {  	v57 =	vld.idx.msk [tilespmem:v12+s10+$0x0], $0xffff;
	s30 =	sadd.s32 $0xFFFFFFA0, s2;
	v58 =	vor.u32 s25, v4;
	[tilespmem:v49+s1+$0x0] =	vst.idx.msk $0xffff, v9  }
0x9b: {  	v59 =	vld.idx.msk [tilespmem:v10+s10+$0x0], $0xffff;
	s31 =	sadd.s32 $0xFFFFFFB0, s2;
	v60 =	vor.u32 s30, v4;
	[tilespmem:v50+s1+$0x0] =	vst.idx.msk $0xffff, v6  }
0x9c: {  	v61 =	vld.idx.msk [tilespmem:v26+s10+$0x0], $0xffff;
	s19 =	sadd.s32 $0xFFFFFFC0, s2;
	v62 =	vor.u32 s31, v4;
	[tilespmem:v56+s1+$0x0] =	vst.idx.msk $0xffff, v55  }
0x9d: {  	v7 =	vld.idx.msk [tilespmem:v7+s10+$0x0], $0xffff;
	s22 =	sadd.s32 $0x1, s22;
	s2 =	sadd.s32 $0xFFFFFF90, s2;
	v5 =	vor.u32 s19, v4;
	[tilespmem:v52+s1+$0x0] =	vst.idx.msk $0xffff, v51  }
0x9e: {  	v63 =	vld.idx.msk [tilespmem:v22+s10+$0x0], $0xffff;
	p0 =	sne.s32 s22, $0x20;
	v4 =	vor.u32 s2, v4;
	[tilespmem:v54+s1+$0x0] =	vst.idx.msk $0xffff, v53  }
.Ltmp3:
0x9f: {  	[tilespmem:v58+s1+$0x0] =	vst.idx.msk $0xffff, v57;
	(pc) =	sbr.rel @p0 .LBB2_7-.Ltmp3, $4  }
0xa0: {  	[tilespmem:v60+s1+$0x0] =	vst.idx.msk $0xffff, v59  }
0xa1: {  	[tilespmem:v62+s1+$0x0] =	vst.idx.msk $0xffff, v61  }
0xa2: {  	[tilespmem:v5+s1+$0x0] =	vst.idx.msk $0xffff, v7  }
0xa3: {  	[tilespmem:v4+s1+$0x0] =	vst.idx.msk $0xffff, v63  }
0xa4: {  	s2 =	rddreg [dreg:$0x3]  }
0xa5: {  	s2 =	sadd.s32 s21, s2  }
0xa6: {  	s2 =	sadd.s32 $0x4, s2  }
0xa7: {  	s6 =	sshll.u32 s2, $0x9;
	s2 =	sshll.u32 s2, $0x7  }
0xa8: {  	s6 =	sand.u32 $0xFFF0000, s6;
	s2 =	sand.u32 $0x3E00, s2  }
0xa9: {  	s30 =	rddreg [dreg:$0x1];
	s2 =	sor.u32 s2, s6  }
0xaa: {  	s6 =	sadd.s32 s30, s2  }
0xab: {  	[hbm4b:s6+s3] =	stream.linear.scatter [tilespmem:s1], [sflag:$0x6], $0x1000, $0x38;
	[tilespmem:$0x10400] =	vst v63  }
0xac: {  	s7 =	simm.s32 $0xD400;
	s31 =	sadd.s32 s2, s11  }
0xad: {  	[hbm4b:s31+s3] =	stream.linear.scatter [tilespmem:s7], [sflag:$0x6], $0x1000, $0x38;
	[tilespmem:$0x10400] =	vst v63  }
0xae: {  	s13 =	simm.s32 $0xE400;
	s8 =	sadd.s32 s2, s12  }
0xaf: {  	[hbm4b:s8+s3] =	stream.linear.scatter [tilespmem:s13], [sflag:$0x6], $0x1000, $0x38;
	[tilespmem:$0x10400] =	vst v63  }
0xb0: {  	s14 =	simm.s32 $0xF400;
	s2 =	sadd.s32 s2, s15  }
0xb1: {  	[hbm4b:s2+s3] =	stream.linear.scatter [tilespmem:s14], [sflag:$0x6], $0x1000, $0x38;
	[tilespmem:$0x10400] =	vst v63  }
0xb2: {  	_ =	swait.ge [sflag:s9], $0x200  }
0xb3: {  	[sflag:s9] =	ssyncset.done $0x0  }
0xb4: {  	s17 =	simm.s32 $0x200;
	[sflag:s9] =	ssyncadd.s32 $0xFFFFFE00  }
0xb5: {  	[tilespmem:s10], [sflag:$0x4] =	stream.indirect.gather [hbm4b:s4+s28], $0x20, s17, s28, $0xb8;
	[tilespmem:$0x10400] =	vst v63  }
0xb6: {  	s18 =	simm.s32 $0x280;
	s19 =	simm.s32 $0x5400;
	s22 =	simm.s32 $0x300  }
0xb7: {  	[tilespmem:s19], [sflag:$0x4] =	stream.indirect.gather [hbm4b:s4+s28], $0x20, s18, s28, $0xb8;
	[tilespmem:$0x10400] =	vst v63  }
0xb8: {  	s25 =	simm.s32 $0x6400;
	p0 =	seq.s32 s20, $0x62;
	s2 =	rddreg [dreg:$0xc]  }
0xb9: {  	[tilespmem:s25], [sflag:$0x4] =	stream.indirect.gather [hbm4b:s4+s28], $0x20, s22, s28, $0xb8;
	[tilespmem:$0x10400] =	vst v63  }
0xba: {  	s30 =	simm.s32 $0x380;
	s31 =	simm.s32 $0x7400;
	s2 =	sadd.s32 @!p0 s21, s2  }
0xbb: {  	[tilespmem:s31], [sflag:$0x4] =	stream.indirect.gather [hbm4b:s4+s28], $0x20, s30, s28, $0xb8;
	[tilespmem:$0x10400] =	vst v63  }
0xbc: {  	s2 =	sshll.u32 @!p0 s2, $0x4;
	_ =	swait.ge [sflag:s23], $0x4000  }
0xbd: {  	s2 =	sand.u32 @!p0 $0x1FFFFF80, s2;
	[sflag:s23] =	ssyncset.done $0x0  }
0xbe: {  	s6 =	simm.s32 @!p0 $0x0;
	s2 =	sadd.s32 @!p0 s5, s2;
	[sflag:s23] =	ssyncadd.s32 $0xFFFFC000  }
0xbf: {  	[tilespmem:s6], [sflag:$0x1] =	stream.linear.gather @!p0 [hbm4b:s2+s6], $0x200, $0x38;
	[tilespmem:$0x10400] =	vst v63  }
0xc0: {  	_ =	swait.ge [sflag:s16], $0x4000  }
0xc1: {  	[sflag:s16] =	ssyncset.done $0x0  }
0xc2: {  	s22 =	simm.s32 $0x0;
	[sflag:s16] =	ssyncadd.s32 $0xFFFFC000  }
.LBB2_11:
0xc3: {  	v4 =	vadd.s32 s22, v0  }
0xc4: {  	v5 =	vand.u32 $0x1F, v4  }
0xc5: {  	s2 =	simm.s32 $0xC00;
	v5 =	vor.u32 v3, v5  }
0xc6: {  	s6 =	simm.s32 $0xE00;
	v6 =	vor.u32 s2, v5  }
0xc7: {  	s13 =	simm.s32 $0xA00;
	v7 =	vshll.u32 v4, $0x9;
	v4 =	vshll.u32 v4, $0x7;
	v8 =	vor.u32 s6, v5  }
0xc8: {  	s14 =	simm.s32 $0x800;
	v7 =	vand.u32 $0x3000, v7;
	v4 =	vand.u32 $0x380, v4;
	v10 =	vor.u32 s13, v5  }
0xc9: {  	s17 =	simm.s32 $0x600;
	v4 =	vor.u32 v7, v4;
	v7 =	vor.u32 s14, v5  }
0xca: {  	s7 =	simm.s32 $0x70;
	s18 =	simm.s32 $0x200;
	v20 =	vor.u32 s17, v5;
	v4 =	vor.u32 v2, v4  }
0xcb: {  	s8 =	simm.s32 $0x400;
	s25 =	simm.s32 $0x60;
	s31 =	simm.s32 $0x1E00;
	v25 =	vor.u32 s18, v5;
	v4 =	vor.u32 v1, v4;
	v15 =	vld.idx.msk [tilespmem:v6+s29+$0x0], $0xffff  }
0xcc: {  	s19 =	simm.s32 $0x0;
	v9 =	vor.u32 s8, v5;
	s13 =	simm.s32 $0x50;
	s14 =	simm.s32 $0x1C00;
	v16 =	vor.u32 s31, v5;
	v17 =	vor.u32 s25, v4;
	v11 =	vld.idx.msk [tilespmem:v8+s29+$0x0], $0xffff  }
0xcd: {  	s30 =	simm.s32 $0x8;
	s18 =	simm.s32 $0x1800;
	v23 =	vor.u32 s14, v5;
	v21 =	vor.u32 s13, v4;
	s13 =	simm.s32 $0x1A00;
	v6 =	vor.u32 s19, v5;
	v19 =	vld.idx.msk [tilespmem:v10+s29+$0x0], $0xffff  }
0xce: {  	s8 =	simm.s32 $0x30;
	s17 =	simm.s32 $0x1600;
	s14 =	simm.s32 $0x1200;
	v12 =	vor.u32 s18, v5;
	v13 =	vor.u32 s7, v4;
	v18 =	vor.u32 s13, v5;
	v14 =	vld.idx.msk [tilespmem:v7+s29+$0x0], $0xffff  }
0xcf: {  	s25 =	simm.s32 $0x40;
	v8 =	vor.u32 s8, v4;
	s19 =	simm.s32 $0x1000;
	v7 =	vor.u32 s17, v5;
	s17 =	simm.s32 $0x1400;
	v24 =	vld.idx.msk [tilespmem:v20+s29+$0x0], $0xffff;
	v10 =	vor.u32 s14, v5  }
0xd0: {  	s13 =	simm.s32 $0x20;
	s8 =	simm.s32 $0x0;
	s14 =	simm.s32 $0x10;
	v20 =	vld.idx.msk [tilespmem:v25+s29+$0x0], $0xffff;
	v25 =	vor.u32 s25, v4;
	v22 =	vor.u32 s19, v5;
	v26 =	vor.u32 s17, v5  }
.LBB2_12:
0xd1: {  	s30 =	sadd.s32 $0x8, s30;
	v27 =	vor.u32 s14, v4;
	v28 =	vld.idx.msk [tilespmem:v9+s29+$0x0], $0xffff;
	[tilespmem:v17+s24+$0x0] =	vst.idx.msk $0xffff, v15;
	s7 =	sadd.s32 $0x400, s7;
	v9 =	vmov v26  }
0xd2: {  	p0 =	slt.u32 s30, $0x18;
	s2 =	sadd.s32 $0xFFFFFF90, s7;
	s6 =	sadd.s32 $0xFFFFFFB0, s7;
	v29 =	vld.idx.msk [tilespmem:v6+s29+$0x0], $0xffff;
	[tilespmem:v21+s24+$0x0] =	vst.idx.msk $0xffff, v19;
	v6 =	vmov v22  }
0xd3: {  	v30 =	vor.u32 s8, v4;
	v31 =	vor.u32 s13, v4;
	s14 =	sadd.s32 $0xFFFFFFF0, s7;
	v15 =	vld.idx.msk [tilespmem:v23+s29+$0x0], $0xffff;
	[tilespmem:v13+s24+$0x0] =	vst.idx.msk $0xffff, v11;
	s8 =	smov.u32 s2;
	s13 =	smov.u32 s6  }
0xd4: {  	s31 =	sadd.s32 $0x1000, s31;
	s2 =	sadd.s32 $0xFFFFFFC0, s7;
	s6 =	sadd.s32 $0xFFFFFFE0, s7;
	v17 =	vor.u32 s14, v4;
	v13 =	vor.u32 s7, v4;
	v11 =	vld.idx.msk [tilespmem:v16+s29+$0x0], $0xffff;
	[tilespmem:v8+s24+$0x0] =	vst.idx.msk $0xffff, v24  }
.Ltmp4:
0xd5: {  	s14 =	sadd.s32 $0xFFFFFE00, s31;
	v8 =	vor.u32 s2, v4;
	s2 =	sadd.s32 $0xFFFFFFD0, s7;
	v21 =	vor.u32 s6, v4;
	v19 =	vld.idx.msk [tilespmem:v18+s29+$0x0], $0xffff;
	[tilespmem:v25+s24+$0x0] =	vst.idx.msk $0xffff, v14;
	(pc) =	sbr.rel @p0 .LBB2_12-.Ltmp4, $4  }
0xd6: {  	s17 =	sadd.s32 $0xFFFFFA00, s31;
	s18 =	sadd.s32 $0xFFFFFC00, s31;
	s6 =	sadd.s32 $0xFFFFF800, s31;
	v23 =	vor.u32 s14, v5;
	v16 =	vor.u32 s31, v5;
	v14 =	vld.idx.msk [tilespmem:v12+s29+$0x0], $0xffff;
	[tilespmem:v27+s24+$0x0] =	vst.idx.msk $0xffff, v20  }
0xd7: {  	s19 =	sadd.s32 $0xFFFFF400, s31;
	s25 =	sadd.s32 $0xFFFFF600, s31;
	s14 =	sadd.s32 $0xFFFFF200, s31;
	v18 =	vor.u32 s18, v5;
	v12 =	vor.u32 s17, v5;
	v24 =	vld.idx.msk [tilespmem:v7+s29+$0x0], $0xffff;
	v7 =	vor.u32 s6, v5  }
0xd8: {  	v26 =	vor.u32 s25, v5;
	v22 =	vor.u32 s14, v5;
	v27 =	vor.u32 s19, v5;
	[tilespmem:v31+s24+$0x0] =	vst.idx.msk $0xffff, v28  }
0xd9: {  	s14 =	sadd.s32 $0xFFFFFFA0, s7;
	v25 =	vor.u32 s2, v4;
	v20 =	vld.idx.msk [tilespmem:v10+s29+$0x0], $0xffff;
	[tilespmem:v30+s24+$0x0] =	vst.idx.msk $0xffff, v29;
	v10 =	vmov v27  }
0xda: {  	_ =	sdelay $0x3  }
0xdb: {  	v5 =	vor.u32 s14, v4;
	[tilespmem:v17+s24+$0x0] =	vst.idx.msk $0xffff, v15  }
0xdc: {  	v9 =	vld.idx.msk [tilespmem:v9+s29+$0x0], $0xffff;
	[tilespmem:v21+s24+$0x0] =	vst.idx.msk $0xffff, v19;
	v49 =	vor.u32 s13, v4  }
0xdd: {  	s2 =	sadd.s32 $0x400, s7;
	v6 =	vld.idx.msk [tilespmem:v6+s29+$0x0], $0xffff;
	v50 =	vor.u32 s8, v4;
	[tilespmem:v13+s24+$0x0] =	vst.idx.msk $0xffff, v11  }
0xde: {  	v55 =	vld.idx.msk [tilespmem:v16+s29+$0x0], $0xffff;
	s6 =	sadd.s32 $0xFFFFFFF0, s2;
	[tilespmem:v25+s24+$0x0] =	vst.idx.msk $0xffff, v14;
	v56 =	vor.u32 s2, v4  }
0xdf: {  	v51 =	vld.idx.msk [tilespmem:v23+s29+$0x0], $0xffff;
	s7 =	sadd.s32 $0xFFFFFFE0, s2;
	v52 =	vor.u32 s6, v4;
	[tilespmem:v8+s24+$0x0] =	vst.idx.msk $0xffff, v24  }
0xe0: {  	v53 =	vld.idx.msk [tilespmem:v18+s29+$0x0], $0xffff;
	s25 =	sadd.s32 $0xFFFFFFD0, s2;
	v54 =	vor.u32 s7, v4;
	[tilespmem:v5+s24+$0x0] =	vst.idx.msk $0xffff, v20  }
0xe1: {  	v57 =	vld.idx.msk [tilespmem:v12+s29+$0x0], $0xffff;
	s30 =	sadd.s32 $0xFFFFFFA0, s2;
	v58 =	vor.u32 s25, v4;
	[tilespmem:v49+s24+$0x0] =	vst.idx.msk $0xffff, v9  }
0xe2: {  	v59 =	vld.idx.msk [tilespmem:v10+s29+$0x0], $0xffff;
	s31 =	sadd.s32 $0xFFFFFFB0, s2;
	v60 =	vor.u32 s30, v4;
	[tilespmem:v50+s24+$0x0] =	vst.idx.msk $0xffff, v6  }
0xe3: {  	v61 =	vld.idx.msk [tilespmem:v26+s29+$0x0], $0xffff;
	s19 =	sadd.s32 $0xFFFFFFC0, s2;
	v62 =	vor.u32 s31, v4;
	[tilespmem:v56+s24+$0x0] =	vst.idx.msk $0xffff, v55  }
0xe4: {  	v7 =	vld.idx.msk [tilespmem:v7+s29+$0x0], $0xffff;
	s22 =	sadd.s32 $0x1, s22;
	s2 =	sadd.s32 $0xFFFFFF90, s2;
	v5 =	vor.u32 s19, v4;
	[tilespmem:v52+s24+$0x0] =	vst.idx.msk $0xffff, v51  }
0xe5: {  	v63 =	vld.idx.msk [tilespmem:v22+s29+$0x0], $0xffff;
	p0 =	sne.s32 s22, $0x20;
	v4 =	vor.u32 s2, v4;
	[tilespmem:v54+s24+$0x0] =	vst.idx.msk $0xffff, v53  }
.Ltmp5:
0xe6: {  	[tilespmem:v58+s24+$0x0] =	vst.idx.msk $0xffff, v57;
	(pc) =	sbr.rel @p0 .LBB2_11-.Ltmp5, $4  }
0xe7: {  	[tilespmem:v60+s24+$0x0] =	vst.idx.msk $0xffff, v59  }
0xe8: {  	[tilespmem:v62+s24+$0x0] =	vst.idx.msk $0xffff, v61  }
0xe9: {  	[tilespmem:v5+s24+$0x0] =	vst.idx.msk $0xffff, v7  }
0xea: {  	[tilespmem:v4+s24+$0x0] =	vst.idx.msk $0xffff, v63  }
0xeb: {  	s2 =	rddreg [dreg:$0xd]  }
0xec: {  	s2 =	sadd.s32 s21, s2  }
0xed: {  	s6 =	sshll.u32 s2, $0x9;
	s2 =	sshll.u32 s2, $0x7  }
0xee: {  	s6 =	sand.u32 $0xFFF0000, s6;
	s2 =	sand.u32 $0x3C00, s2  }
0xef: {  	s21 =	rddreg [dreg:$0x1];
	s2 =	sor.u32 s2, s6  }
0xf0: {  	s20 =	sadd.s32 $0x1, s20;
	s6 =	sadd.s32 s21, s2  }
0xf1: {  	[hbm4b:s6+s3] =	stream.linear.scatter [tilespmem:s24], [sflag:$0x5], $0x1000, $0x38;
	[tilespmem:$0x10400] =	vst v63  }
0xf2: {  	s7 =	simm.s32 $0x9400;
	p0 =	sne.s32 s20, $0x63;
	s22 =	sadd.s32 s2, s11  }
0xf3: {  	[hbm4b:s22+s3] =	stream.linear.scatter [tilespmem:s7], [sflag:$0x5], $0x1000, $0x38;
	[tilespmem:$0x10400] =	vst v63  }
.Ltmp6:
0xf4: {  	_ = 	snop;
	(pc) =	sbr.rel @p0 .LBB2_6-.Ltmp6, $4  }
0xf5: {  	s30 =	simm.s32 $0xA400;
	s25 =	sadd.s32 s2, s12  }
0xf6: {  	[hbm4b:s25+s3] =	stream.linear.scatter [tilespmem:s30], [sflag:$0x5], $0x1000, $0x38;
	[tilespmem:$0x10400] =	vst v63  }
0xf7: {  	s31 =	simm.s32 $0xB400;
	s2 =	sadd.s32 s2, s15  }
0xf8: {  	[hbm4b:s2+s3] =	stream.linear.scatter [tilespmem:s31], [sflag:$0x5], $0x1000, $0x38;
	[tilespmem:$0x10400] =	vst v63  }
0xf9: {  	_ =	swait.ge [sflag:s0], $0x4000  }
0xfa: {  	[sflag:s0] =	ssyncset.done $0x0  }
0xfb: {  	s30 =	simm.s32 $0x6;
	[sflag:s0] =	ssyncadd.s32 $0xFFFFC000  }
0xfc: {  	_ =	swait.ge [sflag:s30], $0x4000  }
0xfd: {  	[sflag:s30] =	ssyncset.done $0x0  }
0xfe: {  	s20 =	simm.s32 $0x0;
	[sflag:s30] =	ssyncadd.s32 $0xFFFFC000  }
.LBB2_16:
0xff: {  	v4 =	vadd.s32 s20, v0  }
0x100: {  	v5 =	vand.u32 $0x1F, v4  }
0x101: {  	s2 =	simm.s32 $0xC00;
	v5 =	vor.u32 v3, v5  }
0x102: {  	s6 =	simm.s32 $0xE00;
	v6 =	vor.u32 s2, v5  }
0x103: {  	s18 =	simm.s32 $0xA00;
	v7 =	vshll.u32 v4, $0x9;
	v4 =	vshll.u32 v4, $0x7;
	v8 =	vor.u32 s6, v5  }
0x104: {  	s19 =	simm.s32 $0x800;
	v7 =	vand.u32 $0x3000, v7;
	v4 =	vand.u32 $0x380, v4;
	v10 =	vor.u32 s18, v5  }
0x105: {  	s21 =	simm.s32 $0x600;
	v4 =	vor.u32 v7, v4;
	v7 =	vor.u32 s19, v5  }
0x106: {  	s7 =	simm.s32 $0x70;
	s22 =	simm.s32 $0x200;
	v20 =	vor.u32 s21, v5;
	v4 =	vor.u32 v2, v4  }
0x107: {  	s8 =	simm.s32 $0x400;
	s31 =	simm.s32 $0x60;
	s17 =	simm.s32 $0x1C00;
	v25 =	vor.u32 s22, v5;
	v4 =	vor.u32 v1, v4;
	v15 =	vld.idx.msk [tilespmem:v6+s10+$0x0], $0xffff  }
0x108: {  	s25 =	simm.s32 $0x0;
	s14 =	simm.s32 $0x50;
	v9 =	vor.u32 s8, v5;
	s22 =	simm.s32 $0x1E00;
	v23 =	vor.u32 s17, v5;
	v17 =	vor.u32 s31, v4;
	v11 =	vld.idx.msk [tilespmem:v8+s10+$0x0], $0xffff  }
0x109: {  	s13 =	simm.s32 $0x30;
	s19 =	simm.s32 $0x1800;
	s17 =	simm.s32 $0x1400;
	v16 =	vor.u32 s22, v5;
	v21 =	vor.u32 s14, v4;
	v6 =	vor.u32 s25, v5;
	v19 =	vld.idx.msk [tilespmem:v10+s10+$0x0], $0xffff  }
0x10a: {  	s21 =	simm.s32 $0x8;
	s18 =	simm.s32 $0x1600;
	v12 =	vor.u32 s19, v5;
	v26 =	vor.u32 s17, v5;
	v13 =	vor.u32 s7, v4;
	s14 =	simm.s32 $0x1200;
	v14 =	vld.idx.msk [tilespmem:v7+s10+$0x0], $0xffff  }
0x10b: {  	s31 =	simm.s32 $0x40;
	v8 =	vor.u32 s13, v4;
	s13 =	simm.s32 $0x1A00;
	s25 =	simm.s32 $0x1000;
	v7 =	vor.u32 s18, v5;
	v24 =	vld.idx.msk [tilespmem:v20+s10+$0x0], $0xffff;
	v10 =	vor.u32 s14, v5  }
0x10c: {  	s8 =	simm.s32 $0x0;
	s14 =	simm.s32 $0x10;
	v20 =	vld.idx.msk [tilespmem:v25+s10+$0x0], $0xffff;
	v25 =	vor.u32 s31, v4;
	v18 =	vor.u32 s13, v5;
	v22 =	vor.u32 s25, v5;
	s13 =	simm.s32 $0x20  }
.LBB2_17:
0x10d: {  	s21 =	sadd.s32 $0x8, s21;
	v27 =	vor.u32 s14, v4;
	v28 =	vld.idx.msk [tilespmem:v9+s10+$0x0], $0xffff;
	[tilespmem:v17+s1+$0x0] =	vst.idx.msk $0xffff, v15;
	s7 =	sadd.s32 $0x400, s7;
	v9 =	vmov v26  }
0x10e: {  	p0 =	slt.u32 s21, $0x18;
	s2 =	sadd.s32 $0xFFFFFF90, s7;
	s6 =	sadd.s32 $0xFFFFFFB0, s7;
	v29 =	vld.idx.msk [tilespmem:v6+s10+$0x0], $0xffff;
	[tilespmem:v21+s1+$0x0] =	vst.idx.msk $0xffff, v19;
	v6 =	vmov v22  }
0x10f: {  	v30 =	vor.u32 s8, v4;
	v31 =	vor.u32 s13, v4;
	s14 =	sadd.s32 $0xFFFFFFF0, s7;
	v15 =	vld.idx.msk [tilespmem:v23+s10+$0x0], $0xffff;
	[tilespmem:v13+s1+$0x0] =	vst.idx.msk $0xffff, v11;
	s8 =	smov.u32 s2;
	s13 =	smov.u32 s6  }
0x110: {  	s22 =	sadd.s32 $0x1000, s22;
	s2 =	sadd.s32 $0xFFFFFFC0, s7;
	s6 =	sadd.s32 $0xFFFFFFE0, s7;
	v17 =	vor.u32 s14, v4;
	v13 =	vor.u32 s7, v4;
	v11 =	vld.idx.msk [tilespmem:v16+s10+$0x0], $0xffff;
	[tilespmem:v8+s1+$0x0] =	vst.idx.msk $0xffff, v24  }
.Ltmp7:
0x111: {  	s14 =	sadd.s32 $0xFFFFFE00, s22;
	v8 =	vor.u32 s2, v4;
	s2 =	sadd.s32 $0xFFFFFFD0, s7;
	v21 =	vor.u32 s6, v4;
	v19 =	vld.idx.msk [tilespmem:v18+s10+$0x0], $0xffff;
	[tilespmem:v25+s1+$0x0] =	vst.idx.msk $0xffff, v14;
	(pc) =	sbr.rel @p0 .LBB2_17-.Ltmp7, $4  }
0x112: {  	s17 =	sadd.s32 $0xFFFFFA00, s22;
	s18 =	sadd.s32 $0xFFFFFC00, s22;
	s6 =	sadd.s32 $0xFFFFF800, s22;
	v23 =	vor.u32 s14, v5;
	v16 =	vor.u32 s22, v5;
	v14 =	vld.idx.msk [tilespmem:v12+s10+$0x0], $0xffff;
	[tilespmem:v27+s1+$0x0] =	vst.idx.msk $0xffff, v20  }
0x113: {  	s19 =	sadd.s32 $0xFFFFF400, s22;
	s25 =	sadd.s32 $0xFFFFF600, s22;
	s14 =	sadd.s32 $0xFFFFF200, s22;
	v18 =	vor.u32 s18, v5;
	v12 =	vor.u32 s17, v5;
	v24 =	vld.idx.msk [tilespmem:v7+s10+$0x0], $0xffff;
	v7 =	vor.u32 s6, v5  }
0x114: {  	v26 =	vor.u32 s25, v5;
	v22 =	vor.u32 s14, v5;
	v27 =	vor.u32 s19, v5;
	[tilespmem:v31+s1+$0x0] =	vst.idx.msk $0xffff, v28  }
0x115: {  	s14 =	sadd.s32 $0xFFFFFFA0, s7;
	v25 =	vor.u32 s2, v4;
	v20 =	vld.idx.msk [tilespmem:v10+s10+$0x0], $0xffff;
	[tilespmem:v30+s1+$0x0] =	vst.idx.msk $0xffff, v29;
	v10 =	vmov v27  }
0x116: {  	_ =	sdelay $0x3  }
0x117: {  	v5 =	vor.u32 s14, v4;
	[tilespmem:v17+s1+$0x0] =	vst.idx.msk $0xffff, v15  }
0x118: {  	v9 =	vld.idx.msk [tilespmem:v9+s10+$0x0], $0xffff;
	[tilespmem:v21+s1+$0x0] =	vst.idx.msk $0xffff, v19;
	v49 =	vor.u32 s13, v4  }
0x119: {  	s2 =	sadd.s32 $0x400, s7;
	v6 =	vld.idx.msk [tilespmem:v6+s10+$0x0], $0xffff;
	v50 =	vor.u32 s8, v4;
	[tilespmem:v13+s1+$0x0] =	vst.idx.msk $0xffff, v11  }
0x11a: {  	v55 =	vld.idx.msk [tilespmem:v16+s10+$0x0], $0xffff;
	s6 =	sadd.s32 $0xFFFFFFF0, s2;
	[tilespmem:v25+s1+$0x0] =	vst.idx.msk $0xffff, v14;
	v56 =	vor.u32 s2, v4  }
0x11b: {  	v51 =	vld.idx.msk [tilespmem:v23+s10+$0x0], $0xffff;
	s7 =	sadd.s32 $0xFFFFFFE0, s2;
	v52 =	vor.u32 s6, v4;
	[tilespmem:v8+s1+$0x0] =	vst.idx.msk $0xffff, v24  }
0x11c: {  	v53 =	vld.idx.msk [tilespmem:v18+s10+$0x0], $0xffff;
	s22 =	sadd.s32 $0xFFFFFFD0, s2;
	v54 =	vor.u32 s7, v4;
	[tilespmem:v5+s1+$0x0] =	vst.idx.msk $0xffff, v20  }
0x11d: {  	v57 =	vld.idx.msk [tilespmem:v12+s10+$0x0], $0xffff;
	s25 =	sadd.s32 $0xFFFFFFA0, s2;
	v58 =	vor.u32 s22, v4;
	[tilespmem:v49+s1+$0x0] =	vst.idx.msk $0xffff, v9  }
0x11e: {  	v59 =	vld.idx.msk [tilespmem:v10+s10+$0x0], $0xffff;
	s31 =	sadd.s32 $0xFFFFFFB0, s2;
	v60 =	vor.u32 s25, v4;
	[tilespmem:v50+s1+$0x0] =	vst.idx.msk $0xffff, v6  }
0x11f: {  	v61 =	vld.idx.msk [tilespmem:v26+s10+$0x0], $0xffff;
	s21 =	sadd.s32 $0xFFFFFFC0, s2;
	v62 =	vor.u32 s31, v4;
	[tilespmem:v56+s1+$0x0] =	vst.idx.msk $0xffff, v55  }
0x120: {  	v7 =	vld.idx.msk [tilespmem:v7+s10+$0x0], $0xffff;
	s20 =	sadd.s32 $0x1, s20;
	s2 =	sadd.s32 $0xFFFFFF90, s2;
	v5 =	vor.u32 s21, v4;
	[tilespmem:v52+s1+$0x0] =	vst.idx.msk $0xffff, v51  }
0x121: {  	v63 =	vld.idx.msk [tilespmem:v22+s10+$0x0], $0xffff;
	p0 =	sne.s32 s20, $0x20;
	v4 =	vor.u32 s2, v4;
	[tilespmem:v54+s1+$0x0] =	vst.idx.msk $0xffff, v53  }
.Ltmp8:
0x122: {  	[tilespmem:v58+s1+$0x0] =	vst.idx.msk $0xffff, v57;
	(pc) =	sbr.rel @p0 .LBB2_16-.Ltmp8, $4  }
0x123: {  	[tilespmem:v60+s1+$0x0] =	vst.idx.msk $0xffff, v59  }
0x124: {  	[tilespmem:v62+s1+$0x0] =	vst.idx.msk $0xffff, v61  }
0x125: {  	[tilespmem:v5+s1+$0x0] =	vst.idx.msk $0xffff, v7  }
0x126: {  	[tilespmem:v4+s1+$0x0] =	vst.idx.msk $0xffff, v63  }
0x127: {  	s2 =	rddreg [dreg:$0xe]  }
0x128: {  	[hbm4b:s2+s3] =	stream.linear.scatter [tilespmem:s1], [sflag:$0x6], $0x1000, $0x38;
	[tilespmem:$0x10400] =	vst v63  }
0x129: {  	s18 =	rddreg [dreg:$0xf];
	s6 =	simm.s32 $0xD400  }
0x12a: {  	[hbm4b:s18+s3] =	stream.linear.scatter [tilespmem:s6], [sflag:$0x6], $0x1000, $0x38;
	[tilespmem:$0x10400] =	vst v63  }
0x12b: {  	s19 =	rddreg [dreg:$0x10];
	s20 =	simm.s32 $0xE400  }
0x12c: {  	[hbm4b:s19+s3] =	stream.linear.scatter [tilespmem:s20], [sflag:$0x6], $0x1000, $0x38;
	[tilespmem:$0x10400] =	vst v63  }
0x12d: {  	s21 =	rddreg [dreg:$0x11];
	s22 =	simm.s32 $0xF400  }
0x12e: {  	[hbm4b:s21+s3] =	stream.linear.scatter [tilespmem:s22], [sflag:$0x6], $0x1000, $0x38;
	[tilespmem:$0x10400] =	vst v63  }
0x12f: {  	_ =	swait.ge [sflag:s16], $0x4000  }
0x130: {  	[sflag:s16] =	ssyncset.done $0x0  }
0x131: {  	[sflag:s16] =	ssyncadd.s32 $0xFFFFC000  }
0x132: {  	_ =	swait.ge [sflag:s30], $0x4000  }
0x133: {  	s25 =	rddreg [dreg:$0x13]  }
0x134: {  	s31 =	rddreg [dreg:$0x12];
	s6 =	sadd.s32 $0x1, s25  }
0x135: {  	p0 =	sne.s32 s6, s31  }
.Ltmp9:
0x136: {  	_ = 	snop;
	(pc) =	sbr.rel @p0 .LBB2_1-.Ltmp9, $3  }
0x137: {  	_ =	sdelay $0x1  }
0x138: {  	[sflag:s30] =	ssyncset.done $0x0  }
0x139: {  	[sflag:s30] =	ssyncadd.s32 $0xFFFFC000  }
0x13a: {  	_ =	sfence.sel $0x180000  }
0x13b: {  	[bflag:$0x0] =	sbarrier.arrive $0xFFFF  }
0x13c: {  	_ =	strace $0x90000047  }
0x13d: {  	s0 =	stileid.u32;
	[bflag:$0x2] =	sbarrier.arrive $0xFFFF  }
0x13e: {  	p0 =	sne.s32 s0, $0x0;
	s0 =	rddreg [dreg:$0x2]  }
0x13f: {  	s0 =	sadd.s32 @!p0 $0x100000, s0  }
0x140: {  	[sflag:s0] =	ssyncadd.tile.s32 @!p0 $0x1;
	_ =	shalt  }
.Lfunc_end2:
_tile_overlayer_lowered:
.L_overlay_start_2:
0x141: {  	(tag) =	ssettag $0x2  }
0x142: {  	s0 =	rddreg [dreg:$0x0];
	s2 =	stileid.u32  }
0x143: {  	s1 =	rddreg [dreg:$0x1];
	p0 =	sne.s32 s2, $0x0  }
0x144: {  	s3 =	rddreg [dreg:$0x2];
	[bflag:$0x3] =	sbarrier.arrive $0xFFFF;
	s2 =	simm.s32 @!p0 $0x1C07  }
0x145: {  	[timem:s3], [sflag:s2] =	dma.local @!p0 [hbm:s0], s1  }
0x146: {  	s0 =	simm.s32 @!p0 $0x7  }
0x147: {  	_ =	swait.ge @!p0 [sflag:s0], s1  }
0x148: {  	s1 =	ssub.s32 @!p0 $0x0, s1;
	[sflag:s0] =	ssyncset.done @!p0 $0x0  }
0x149: {  	[sflag:s0] =	ssyncadd.s32 @!p0 s1  }
0x14a: {  	[bflag:$0x3] =	sbarrier.arrive $0xFFFF  }
0x14b: {  	_ =	shalt  }

</sc_bundles>
